<compile_context>
chip_gen: v7x
topology: tpu7x:2x2x1
jax: 0.10.2.dev20260603
libtpu: 0.0.44.dev20260713+nightly
codegen_flags: <defaults>
</compile_context>

<pallas_src>
import functools

import jax
import jax.numpy as jnp
from jax import lax
from jax.experimental import pallas as pl
from jax.experimental.pallas import tpu as pltpu
from jax.experimental.pallas import tpu_sc as plsc

_J = 200
_B = 4096
_E = 32
_V = 1000000
_CB = 512
_LANES = 16


@functools.lru_cache(maxsize=None)
def _make_kernel():
    info = plsc.get_sparse_core_info()
    NC, NS = info.num_cores, info.num_subcores
    NW = NC * NS
    n_units = _J * (_B // _CB)
    units_per_w = n_units // NW
    qpj = _B // _CB
    out_words = _J * _E * _B
    mesh = plsc.VectorSubcoreMesh(core_axis_name="c", subcore_axis_name="s")

    @functools.partial(
        pl.kernel,
        mesh=mesh,
        out_type=jax.ShapeDtypeStruct((out_words // 128, 128), jnp.float32),
        scratch_types=[
            pltpu.VMEM((_CB,), jnp.int32),
            pltpu.VMEM((_CB,), jnp.int32),
            pltpu.VMEM((_CB, _E), jnp.float32),
            pltpu.VMEM((_CB, _E), jnp.float32),
            pltpu.VMEM((160, 129), jnp.float32),
            pltpu.VMEM((160, 129), jnp.float32),
            pltpu.SemaphoreType.DMA,
            pltpu.SemaphoreType.DMA,
            pltpu.SemaphoreType.DMA,
            pltpu.SemaphoreType.DMA,
            pltpu.SemaphoreType.DMA,
            pltpu.SemaphoreType.DMA,
        ],
        compiler_params=pltpu.CompilerParams(
            use_tc_tiling_on_sc=False, needs_layout_passes=False
        ),
    )
    def k(idx_hbm, table_hbm, out_hbm, idx_v0, idx_v1, rows_v0, rows_v1,
          dst_v0, dst_v1, si0, si1, sg0, sg1, so0, so1):
        idx_v = (idx_v0, idx_v1)
        rows_v = (rows_v0, rows_v1)
        dst_v = (dst_v0, dst_v1)
        wid = lax.axis_index("s") * NC + lax.axis_index("c")
        lanes = lax.iota(jnp.int32, _LANES)
        row0 = (lanes >> 3) * 40 + (lanes & 7)
        row1 = row0 + 2 * 40
        si = (si0, si1)
        sg = (sg0, sg1)
        so = (so0, so1)

        def idx_src(t):
            u = wid + t * NW
            j = u // qpj
            q = u % qpj
            return idx_hbm.at[pl.ds(pl.multiple_of(j * _B + q * _CB, 8), _CB)]

        def out_dst(t, e_hi):
            u = wid + t * NW
            j = u // qpj
            q = u % qpj
            row = pl.multiple_of(j * 1024 + e_hi * 256 + q * 32, 8)
            return out_hbm.at[pl.ds(row, 32), :]

        def shuffle(r):
            rows = rows_v[r]
            dst = dst_v[r]

            def g_body(g, carry2):
                b0 = g * 8
                rbv = jnp.broadcast_to((b0 >> 7) * 8, (_LANES,))
                rv0 = row0 + rbv
                rv1 = row1 + rbv
                cb = b0 & 127
                vals = []
                for u in range(8):
                    b = b0 + u
                    vals.append(rows[b, pl.ds(0, _LANES)])
                    vals.append(rows[b, pl.ds(_LANES, _LANES)])
                for u in range(8):
                    cv = jnp.broadcast_to(cb + u, (_LANES,))
                    plsc.store_scatter(dst, [rv0, cv], vals[2 * u])
                    plsc.store_scatter(dst, [rv1, cv], vals[2 * u + 1])
                return carry2

            lax.fori_loop(0, _CB // 8, g_body, 0)

        pltpu.async_copy(idx_src(0), idx_v[0], si0).wait()
        pltpu.async_copy(table_hbm.at[idx_v[0]], rows_v[0], sg0)
        pltpu.async_copy(idx_src(1), idx_v[1], si1)

        def tt_body(tt, carry):
            for r in range(2):
                t = 2 * tt + r
                pltpu.make_async_copy(
                    table_hbm.at[idx_v[r]], rows_v[r], sg[r]
                ).wait()

                @pl.when(t + 1 < units_per_w)
                def _():
                    pltpu.make_async_copy(
                        idx_src(t + 1), idx_v[1 - r], si[1 - r]
                    ).wait()
                    pltpu.async_copy(
                        table_hbm.at[idx_v[1 - r]], rows_v[1 - r], sg[1 - r]
                    )

                @pl.when(t + 2 < units_per_w)
                def _():
                    pltpu.async_copy(idx_src(t + 2), idx_v[r], si[r])

                @pl.when(t >= 2)
                def _():
                    for e_hi in range(_E // 8):
                        pltpu.make_async_copy(
                            dst_v[r].at[pl.ds(e_hi * 40, 32), pl.ds(0, 128)],
                            out_dst(t - 2, e_hi),
                            so[r],
                        ).wait()

                shuffle(r)
                for e_hi in range(_E // 8):
                    pltpu.async_copy(
                        dst_v[r].at[pl.ds(e_hi * 40, 32), pl.ds(0, 128)],
                        out_dst(t, e_hi),
                        so[r],
                    )
            return carry

        lax.fori_loop(0, units_per_w // 2, tt_body, 0)

        for r in range(2):
            t = units_per_w - 2 + r
            for e_hi in range(_E // 8):
                pltpu.make_async_copy(
                    dst_v[r].at[pl.ds(e_hi * 40, 32), pl.ds(0, 128)],
                    out_dst(t, e_hi),
                    so[r],
                ).wait()

    return k


def kernel(x, seg_emb_weight):
    xflat = jnp.swapaxes(x, 0, 1).reshape(_J * _B).astype(jnp.int32)
    tbl128 = lax.optimization_barrier(seg_emb_weight.reshape(_V // 4, 128))
    tbl = tbl128.reshape(_V, _E)
    out2 = _make_kernel()(xflat, tbl)
    out5 = out2.reshape(_J, _E // 8, _B // 128, 8, 128)
    return out5.transpose(2, 4, 0, 1, 3).reshape(_B, _J, _E)

# --- scband reference (transcript-rebuilt; emitter-appended) ---
"""Pipeline reference for scband-segment-embedding-23570780520800 (READ-ONLY COPY).

The authoritative reference and input builder live on the scoring server;
editing this copy changes nothing except your own understanding.
"""

import jax, jax.numpy as jnp
import numpy as np

LABELS = 1000000
EMB_DIM = 32

def setup_inputs(seed: int = 0) -> dict:
    key = jax.random.key(seed)
    k1, k2 = jax.random.split(key)
    x = jax.random.randint(k1, (4096, 200), 0, LABELS, dtype=jnp.int64)
    seg_emb_weight = jax.random.normal(k2, (LABELS, EMB_DIM), dtype=jnp.float32)
    return {"x": x, "seg_emb_weight": seg_emb_weight}

def reference(x, seg_emb_weight):
    # nn.Embedding lookup: table gather by integer indices
    out = jnp.take(seg_emb_weight, x, axis=0)
    return out

if __name__ == "__main__":
    import jax
    _d = setup_inputs()
    print(jax.jit(kernel)(*tuple(_d.values())))

</pallas_src>

<mosaic_0001>
#map = affine_map<(d0, d1) -> (0)>
#map1 = affine_map<(d0, d1) -> (0, 0)>
module attributes {stable_mosaic.version = 14 : i64} {
  func.func @k(%arg0: i32, %arg1: i32, %arg2: memref<819200xi32, #tpu.memory_space<hbm>>, %arg3: memref<1000000x32xf32, #tpu.memory_space<hbm>>, %arg4: memref<204800x128xf32, #tpu.memory_space<hbm>>, %arg5: memref<512xi32, #tpu.memory_space<vmem>>, %arg6: memref<512xi32, #tpu.memory_space<vmem>>, %arg7: memref<512x32xf32, #tpu.memory_space<vmem>>, %arg8: memref<512x32xf32, #tpu.memory_space<vmem>>, %arg9: memref<160x129xf32, #tpu.memory_space<vmem>>, %arg10: memref<160x129xf32, #tpu.memory_space<vmem>>, %arg11: memref<!tpu.dma_semaphore, #tpu.memory_space<semaphore_mem>>, %arg12: memref<!tpu.dma_semaphore, #tpu.memory_space<semaphore_mem>>, %arg13: memref<!tpu.dma_semaphore, #tpu.memory_space<semaphore_mem>>, %arg14: memref<!tpu.dma_semaphore, #tpu.memory_space<semaphore_mem>>, %arg15: memref<!tpu.dma_semaphore, #tpu.memory_space<semaphore_mem>>, %arg16: memref<!tpu.dma_semaphore, #tpu.memory_space<semaphore_mem>>) attributes {dimension_semantics = [#tpu.dimension_semantics<core_parallel>, #tpu.dimension_semantics<subcore_parallel>], iteration_bounds = array<i64: 2, 16>, scalar_prefetch = 0 : i64, scratch_operands = 12 : i64, tpu.core_type = #tpu.core_type<sc_vector_subcore>, window_params = [{transform_indices = #map}, {transform_indices = #map1}, {transform_indices = #map1}]} {
    %mul3A = arith.constant 2 : i32
    %mul3A_0 = arith.muli %arg1, %mul3A : i32
    %add3A = arith.addi %mul3A_0, %arg0 : i32
    %iota3A = tpu.iota {dimensions = array<i32: 0>} : vector<16xi32>
    %shift_right_arithmetic3A = arith.constant 3 : i32
    %shift_right_arithmetic3A_1 = vector.broadcast %shift_right_arithmetic3A : i32 to vector<16xi32>
    %shift_right_arithmetic3A_2 = arith.shrsi %iota3A, %shift_right_arithmetic3A_1 : vector<16xi32>
    %mul3A_3 = arith.constant 40 : i32
    %mul3A_4 = vector.broadcast %mul3A_3 : i32 to vector<16xi32>
    %mul3A_5 = arith.muli %shift_right_arithmetic3A_2, %mul3A_4 : vector<16xi32>
    %and3A = arith.constant 7 : i32
    %and3A_6 = vector.broadcast %and3A : i32 to vector<16xi32>
    %and3A_7 = arith.andi %iota3A, %and3A_6 : vector<16xi32>
    %add3A_8 = arith.addi %mul3A_5, %and3A_7 : vector<16xi32>
    %add3A_9 = arith.constant 80 : i32
    %add3A_10 = vector.broadcast %add3A_9 : i32 to vector<16xi32>
    %add3A_11 = arith.addi %add3A_8, %add3A_10 : vector<16xi32>
    %add3A_12 = arith.constant 0 : i32
    %add3A_13 = arith.addi %add3A, %add3A_12 : i32
    %jit3A = arith.constant 8 : i32
    %div3A = arith.divsi %add3A_13, %jit3A : i32
    %sign3A = arith.constant 0 : i32
    %sign3A_14 = arith.cmpi sgt, %add3A_13, %sign3A : i32
    %sign3A_15 = arith.extui %sign3A_14 : i1 to i32
    %sign3A_16 = arith.constant 0 : i32
    %sign3A_17 = arith.cmpi slt, %add3A_13, %sign3A_16 : i32
    %sign3A_18 = arith.extui %sign3A_17 : i1 to i32
    %sign3A_19 = arith.subi %sign3A_15, %sign3A_18 : i32
    %sign3A_20 = arith.constant 0 : i32
    %sign3A_21 = arith.cmpi sgt, %jit3A, %sign3A_20 : i32
    %sign3A_22 = arith.extui %sign3A_21 : i1 to i32
    %sign3A_23 = arith.constant 0 : i32
    %sign3A_24 = arith.cmpi slt, %jit3A, %sign3A_23 : i32
    %sign3A_25 = arith.extui %sign3A_24 : i1 to i32
    %sign3A_26 = arith.subi %sign3A_22, %sign3A_25 : i32
    %ne3A = arith.cmpi ne, %sign3A_19, %sign3A_26 : i32
    %rem3A = arith.remsi %add3A_13, %jit3A : i32
    %ne3A_27 = arith.constant 0 : i32
    %ne3A_28 = arith.cmpi ne, %rem3A, %ne3A_27 : i32
    %and3A_29 = arith.andi %ne3A, %ne3A_28 : i1
    %sub3A = arith.constant 1 : i32
    %sub3A_30 = arith.subi %div3A, %sub3A : i32
    %select_n3A = arith.select %and3A_29, %sub3A_30, %div3A : i32
    %jit3A_31 = arith.constant 8 : i32
    %eq3A = arith.constant 0 : i32
    %eq3A_32 = arith.cmpi eq, %jit3A_31, %eq3A : i32
    %jit3A_33 = arith.constant 1 : i32
    %select_n3A_34 = arith.select %eq3A_32, %jit3A_33, %jit3A_31 : i32
    %rem3A_35 = arith.remsi %add3A_13, %select_n3A_34 : i32
    %ne3A_36 = arith.constant 0 : i32
    %ne3A_37 = arith.cmpi ne, %rem3A_35, %ne3A_36 : i32
    %lt3A = arith.constant 0 : i32
    %lt3A_38 = arith.cmpi slt, %rem3A_35, %lt3A : i32
    %lt3A_39 = arith.constant 0 : i32
    %lt3A_40 = arith.cmpi slt, %select_n3A_34, %lt3A_39 : i32
    %ne3A_41 = arith.xori %lt3A_38, %lt3A_40 : i1
    %and3A_42 = arith.andi %ne3A_41, %ne3A_37 : i1
    %add3A_43 = arith.addi %rem3A_35, %select_n3A_34 : i32
    %select_n3A_44 = arith.select %and3A_42, %add3A_43, %rem3A_35 : i32
    %mul3A_45 = arith.constant 4096 : i32
    %mul3A_46 = arith.muli %select_n3A, %mul3A_45 : i32
    %mul3A_47 = arith.constant 512 : i32
    %mul3A_48 = arith.muli %select_n3A_44, %mul3A_47 : i32
    %add3A_49 = arith.addi %mul3A_46, %mul3A_48 : i32
    %multiple_of3A = tpu.assume_multiple %add3A_49, 8 : i32
    %dma_start3A = tpu.memref_slice %arg2[%multiple_of3A] : memref<819200xi32, #tpu.memory_space<hbm>> -> memref<512xi32, #tpu.memory_space<hbm>>
    %dma_start3A_50 = tpu.memref_slice %arg2[%multiple_of3A] : memref<819200xi32, #tpu.memory_space<hbm>> -> memref<512xi32, #tpu.memory_space<hbm>>
    tpu.enqueue_dma source(%dma_start3A_50 : memref<512xi32, #tpu.memory_space<hbm>>) target(%arg5 : memref<512xi32, #tpu.memory_space<vmem>>) target_semaphore(%arg11 : memref<!tpu.dma_semaphore, #tpu.memory_space<semaphore_mem>>)
    %dma_wait3A = tpu.memref_slice %arg2[%multiple_of3A] : memref<819200xi32, #tpu.memory_space<hbm>> -> memref<512xi32, #tpu.memory_space<hbm>>
    %dma_wait3A_51 = tpu.memref_slice %arg2[%multiple_of3A] : memref<819200xi32, #tpu.memory_space<hbm>> -> memref<512xi32, #tpu.memory_space<hbm>>
    tpu.wait_dma2 semaphore(%arg11 : memref<!tpu.dma_semaphore, #tpu.memory_space<semaphore_mem>>) src(%dma_wait3A_51 : memref<512xi32, #tpu.memory_space<hbm>>) dst(%arg5 : memref<512xi32, #tpu.memory_space<vmem>>)
    %dma_start3A_52 = arith.constant 0 : i32
    %dma_start3A_53 = arith.constant 0 : i32
    %dma_start3A_54 = tpu.memref_slice %arg3[%dma_start3A_52, %dma_start3A_53] : memref<1000000x32xf32, #tpu.memory_space<hbm>> -> memref<1000000x32xf32, #tpu.memory_space<hbm>>
    tpu.enqueue_indirect_dma source(%dma_start3A_54 : memref<1000000x32xf32, #tpu.memory_space<hbm>>) target(%arg7 : memref<512x32xf32, #tpu.memory_space<vmem>>) offsets(%arg5 : memref<512xi32, #tpu.memory_space<vmem>>) semaphore(%arg13 : memref<!tpu.dma_semaphore, #tpu.memory_space<semaphore_mem>>)
    %add3A_55 = arith.constant 32 : i32
    %add3A_56 = arith.addi %add3A, %add3A_55 : i32
    %jit3A_57 = arith.constant 8 : i32
    %div3A_58 = arith.divsi %add3A_56, %jit3A_57 : i32
    %sign3A_59 = arith.constant 0 : i32
    %sign3A_60 = arith.cmpi sgt, %add3A_56, %sign3A_59 : i32
    %sign3A_61 = arith.extui %sign3A_60 : i1 to i32
    %sign3A_62 = arith.constant 0 : i32
    %sign3A_63 = arith.cmpi slt, %add3A_56, %sign3A_62 : i32
    %sign3A_64 = arith.extui %sign3A_63 : i1 to i32
    %sign3A_65 = arith.subi %sign3A_61, %sign3A_64 : i32
    %sign3A_66 = arith.constant 0 : i32
    %sign3A_67 = arith.cmpi sgt, %jit3A_57, %sign3A_66 : i32
    %sign3A_68 = arith.extui %sign3A_67 : i1 to i32
    %sign3A_69 = arith.constant 0 : i32
    %sign3A_70 = arith.cmpi slt, %jit3A_57, %sign3A_69 : i32
    %sign3A_71 = arith.extui %sign3A_70 : i1 to i32
    %sign3A_72 = arith.subi %sign3A_68, %sign3A_71 : i32
    %ne3A_73 = arith.cmpi ne, %sign3A_65, %sign3A_72 : i32
    %rem3A_74 = arith.remsi %add3A_56, %jit3A_57 : i32
    %ne3A_75 = arith.constant 0 : i32
    %ne3A_76 = arith.cmpi ne, %rem3A_74, %ne3A_75 : i32
    %and3A_77 = arith.andi %ne3A_73, %ne3A_76 : i1
    %sub3A_78 = arith.constant 1 : i32
    %sub3A_79 = arith.subi %div3A_58, %sub3A_78 : i32
    %select_n3A_80 = arith.select %and3A_77, %sub3A_79, %div3A_58 : i32
    %jit3A_81 = arith.constant 8 : i32
    %eq3A_82 = arith.constant 0 : i32
    %eq3A_83 = arith.cmpi eq, %jit3A_81, %eq3A_82 : i32
    %jit3A_84 = arith.constant 1 : i32
    %select_n3A_85 = arith.select %eq3A_83, %jit3A_84, %jit3A_81 : i32
    %rem3A_86 = arith.remsi %add3A_56, %select_n3A_85 : i32
    %ne3A_87 = arith.constant 0 : i32
    %ne3A_88 = arith.cmpi ne, %rem3A_86, %ne3A_87 : i32
    %lt3A_89 = arith.constant 0 : i32
    %lt3A_90 = arith.cmpi slt, %rem3A_86, %lt3A_89 : i32
    %lt3A_91 = arith.constant 0 : i32
    %lt3A_92 = arith.cmpi slt, %select_n3A_85, %lt3A_91 : i32
    %ne3A_93 = arith.xori %lt3A_90, %lt3A_92 : i1
    %and3A_94 = arith.andi %ne3A_93, %ne3A_88 : i1
    %add3A_95 = arith.addi %rem3A_86, %select_n3A_85 : i32
    %select_n3A_96 = arith.select %and3A_94, %add3A_95, %rem3A_86 : i32
    %mul3A_97 = arith.constant 4096 : i32
    %mul3A_98 = arith.muli %select_n3A_80, %mul3A_97 : i32
    %mul3A_99 = arith.constant 512 : i32
    %mul3A_100 = arith.muli %select_n3A_96, %mul3A_99 : i32
    %add3A_101 = arith.addi %mul3A_98, %mul3A_100 : i32
    %multiple_of3A_102 = tpu.assume_multiple %add3A_101, 8 : i32
    %dma_start3A_103 = tpu.memref_slice %arg2[%multiple_of3A_102] : memref<819200xi32, #tpu.memory_space<hbm>> -> memref<512xi32, #tpu.memory_space<hbm>>
    %dma_start3A_104 = tpu.memref_slice %arg2[%multiple_of3A_102] : memref<819200xi32, #tpu.memory_space<hbm>> -> memref<512xi32, #tpu.memory_space<hbm>>
    tpu.enqueue_dma source(%dma_start3A_104 : memref<512xi32, #tpu.memory_space<hbm>>) target(%arg6 : memref<512xi32, #tpu.memory_space<vmem>>) target_semaphore(%arg12 : memref<!tpu.dma_semaphore, #tpu.memory_space<semaphore_mem>>)
    %scan3A = arith.constant 0 : i32
    %scan3A_105 = arith.constant 0 : i32
    %scan3A_106 = arith.constant 25 : i32
    %scan3A_107 = arith.addi %scan3A_105, %scan3A_106 : i32
    %scan3A_108 = arith.constant 1 : i32
    scf.for %scan3A_590 = %scan3A_105 to %scan3A_107 step %scan3A_108  : i32 {
      %mul3A_591 = arith.constant 2 : i32
      %mul3A_592 = arith.muli %mul3A_591, %scan3A_590 : i32
      %add3A_593 = arith.constant 0 : i32
      %add3A_594 = arith.addi %mul3A_592, %add3A_593 : i32
      %dma_wait3A_595 = arith.constant 0 : i32
      %dma_wait3A_596 = arith.constant 0 : i32
      %dma_wait3A_597 = tpu.memref_slice %arg3[%dma_wait3A_595, %dma_wait3A_596] : memref<1000000x32xf32, #tpu.memory_space<hbm>> -> memref<1000000x32xf32, #tpu.memory_space<hbm>>
      tpu.wait_indirect_dma semaphore(%arg13 : memref<!tpu.dma_semaphore, #tpu.memory_space<semaphore_mem>>) src(%dma_wait3A_597 : memref<1000000x32xf32, #tpu.memory_space<hbm>>) dst(%arg7 : memref<512x32xf32, #tpu.memory_space<vmem>>)
      %add3A_598 = arith.constant 1 : i32
      %add3A_599 = arith.addi %add3A_594, %add3A_598 : i32
      %lt3A_600 = arith.constant 50 : i32
      %lt3A_601 = arith.cmpi slt, %add3A_599, %lt3A_600 : i32
      %convert_element_type3A = arith.extui %lt3A_601 : i1 to i32
      %cond3A = arith.constant 0 : i32
      %cond3A_602 = arith.cmpi ne, %convert_element_type3A, %cond3A : i32
      scf.if %cond3A_602 {
        %add3A_1140 = arith.constant 1 : i32
        %add3A_1141 = arith.addi %add3A_594, %add3A_1140 : i32
        %mul3A_1142 = arith.constant 32 : i32
        %mul3A_1143 = arith.muli %add3A_1141, %mul3A_1142 : i32
        %add3A_1144 = arith.addi %add3A, %mul3A_1143 : i32
        %jit3A_1145 = arith.constant 8 : i32
        %div3A_1146 = arith.divsi %add3A_1144, %jit3A_1145 : i32
        %sign3A_1147 = arith.constant 0 : i32
        %sign3A_1148 = arith.cmpi sgt, %add3A_1144, %sign3A_1147 : i32
        %sign3A_1149 = arith.extui %sign3A_1148 : i1 to i32
        %sign3A_1150 = arith.constant 0 : i32
        %sign3A_1151 = arith.cmpi slt, %add3A_1144, %sign3A_1150 : i32
        %sign3A_1152 = arith.extui %sign3A_1151 : i1 to i32
        %sign3A_1153 = arith.subi %sign3A_1149, %sign3A_1152 : i32
        %sign3A_1154 = arith.constant 0 : i32
        %sign3A_1155 = arith.cmpi sgt, %jit3A_1145, %sign3A_1154 : i32
        %sign3A_1156 = arith.extui %sign3A_1155 : i1 to i32
        %sign3A_1157 = arith.constant 0 : i32
        %sign3A_1158 = arith.cmpi slt, %jit3A_1145, %sign3A_1157 : i32
        %sign3A_1159 = arith.extui %sign3A_1158 : i1 to i32
        %sign3A_1160 = arith.subi %sign3A_1156, %sign3A_1159 : i32
        %ne3A_1161 = arith.cmpi ne, %sign3A_1153, %sign3A_1160 : i32
        %rem3A_1162 = arith.remsi %add3A_1144, %jit3A_1145 : i32
        %ne3A_1163 = arith.constant 0 : i32
        %ne3A_1164 = arith.cmpi ne, %rem3A_1162, %ne3A_1163 : i32
        %and3A_1165 = arith.andi %ne3A_1161, %ne3A_1164 : i1
        %sub3A_1166 = arith.constant 1 : i32
        %sub3A_1167 = arith.subi %div3A_1146, %sub3A_1166 : i32
        %select_n3A_1168 = arith.select %and3A_1165, %sub3A_1167, %div3A_1146 : i32
        %jit3A_1169 = arith.constant 8 : i32
        %eq3A_1170 = arith.constant 0 : i32
        %eq3A_1171 = arith.cmpi eq, %jit3A_1169, %eq3A_1170 : i32
        %jit3A_1172 = arith.constant 1 : i32
        %select_n3A_1173 = arith.select %eq3A_1171, %jit3A_1172, %jit3A_1169 : i32
        %rem3A_1174 = arith.remsi %add3A_1144, %select_n3A_1173 : i32
        %ne3A_1175 = arith.constant 0 : i32
        %ne3A_1176 = arith.cmpi ne, %rem3A_1174, %ne3A_1175 : i32
        %lt3A_1177 = arith.constant 0 : i32
        %lt3A_1178 = arith.cmpi slt, %rem3A_1174, %lt3A_1177 : i32
        %lt3A_1179 = arith.constant 0 : i32
        %lt3A_1180 = arith.cmpi slt, %select_n3A_1173, %lt3A_1179 : i32
        %ne3A_1181 = arith.xori %lt3A_1178, %lt3A_1180 : i1
        %and3A_1182 = arith.andi %ne3A_1181, %ne3A_1176 : i1
        %add3A_1183 = arith.addi %rem3A_1174, %select_n3A_1173 : i32
        %select_n3A_1184 = arith.select %and3A_1182, %add3A_1183, %rem3A_1174 : i32
        %mul3A_1185 = arith.constant 4096 : i32
        %mul3A_1186 = arith.muli %select_n3A_1168, %mul3A_1185 : i32
        %mul3A_1187 = arith.constant 512 : i32
        %mul3A_1188 = arith.muli %select_n3A_1184, %mul3A_1187 : i32
        %add3A_1189 = arith.addi %mul3A_1186, %mul3A_1188 : i32
        %multiple_of3A_1190 = tpu.assume_multiple %add3A_1189, 8 : i32
        %dma_wait3A_1191 = tpu.memref_slice %arg2[%multiple_of3A_1190] : memref<819200xi32, #tpu.memory_space<hbm>> -> memref<512xi32, #tpu.memory_space<hbm>>
        %dma_wait3A_1192 = tpu.memref_slice %arg2[%multiple_of3A_1190] : memref<819200xi32, #tpu.memory_space<hbm>> -> memref<512xi32, #tpu.memory_space<hbm>>
        tpu.wait_dma2 semaphore(%arg12 : memref<!tpu.dma_semaphore, #tpu.memory_space<semaphore_mem>>) src(%dma_wait3A_1192 : memref<512xi32, #tpu.memory_space<hbm>>) dst(%arg6 : memref<512xi32, #tpu.memory_space<vmem>>)
        %dma_start3A_1193 = arith.constant 0 : i32
        %dma_start3A_1194 = arith.constant 0 : i32
        %dma_start3A_1195 = tpu.memref_slice %arg3[%dma_start3A_1193, %dma_start3A_1194] : memref<1000000x32xf32, #tpu.memory_space<hbm>> -> memref<1000000x32xf32, #tpu.memory_space<hbm>>
        tpu.enqueue_indirect_dma source(%dma_start3A_1195 : memref<1000000x32xf32, #tpu.memory_space<hbm>>) target(%arg8 : memref<512x32xf32, #tpu.memory_space<vmem>>) offsets(%arg6 : memref<512xi32, #tpu.memory_space<vmem>>) semaphore(%arg14 : memref<!tpu.dma_semaphore, #tpu.memory_space<semaphore_mem>>)
      } else {
      }
      %add3A_603 = arith.constant 2 : i32
      %add3A_604 = arith.addi %add3A_594, %add3A_603 : i32
      %lt3A_605 = arith.constant 50 : i32
      %lt3A_606 = arith.cmpi slt, %add3A_604, %lt3A_605 : i32
      %convert_element_type3A_607 = arith.extui %lt3A_606 : i1 to i32
      %cond3A_608 = arith.constant 0 : i32
      %cond3A_609 = arith.cmpi ne, %convert_element_type3A_607, %cond3A_608 : i32
      scf.if %cond3A_609 {
        %add3A_1140 = arith.constant 2 : i32
        %add3A_1141 = arith.addi %add3A_594, %add3A_1140 : i32
        %mul3A_1142 = arith.constant 32 : i32
        %mul3A_1143 = arith.muli %add3A_1141, %mul3A_1142 : i32
        %add3A_1144 = arith.addi %add3A, %mul3A_1143 : i32
        %jit3A_1145 = arith.constant 8 : i32
        %div3A_1146 = arith.divsi %add3A_1144, %jit3A_1145 : i32
        %sign3A_1147 = arith.constant 0 : i32
        %sign3A_1148 = arith.cmpi sgt, %add3A_1144, %sign3A_1147 : i32
        %sign3A_1149 = arith.extui %sign3A_1148 : i1 to i32
        %sign3A_1150 = arith.constant 0 : i32
        %sign3A_1151 = arith.cmpi slt, %add3A_1144, %sign3A_1150 : i32
        %sign3A_1152 = arith.extui %sign3A_1151 : i1 to i32
        %sign3A_1153 = arith.subi %sign3A_1149, %sign3A_1152 : i32
        %sign3A_1154 = arith.constant 0 : i32
        %sign3A_1155 = arith.cmpi sgt, %jit3A_1145, %sign3A_1154 : i32
        %sign3A_1156 = arith.extui %sign3A_1155 : i1 to i32
        %sign3A_1157 = arith.constant 0 : i32
        %sign3A_1158 = arith.cmpi slt, %jit3A_1145, %sign3A_1157 : i32
        %sign3A_1159 = arith.extui %sign3A_1158 : i1 to i32
        %sign3A_1160 = arith.subi %sign3A_1156, %sign3A_1159 : i32
        %ne3A_1161 = arith.cmpi ne, %sign3A_1153, %sign3A_1160 : i32
        %rem3A_1162 = arith.remsi %add3A_1144, %jit3A_1145 : i32
        %ne3A_1163 = arith.constant 0 : i32
        %ne3A_1164 = arith.cmpi ne, %rem3A_1162, %ne3A_1163 : i32
        %and3A_1165 = arith.andi %ne3A_1161, %ne3A_1164 : i1
        %sub3A_1166 = arith.constant 1 : i32
        %sub3A_1167 = arith.subi %div3A_1146, %sub3A_1166 : i32
        %select_n3A_1168 = arith.select %and3A_1165, %sub3A_1167, %div3A_1146 : i32
        %jit3A_1169 = arith.constant 8 : i32
        %eq3A_1170 = arith.constant 0 : i32
        %eq3A_1171 = arith.cmpi eq, %jit3A_1169, %eq3A_1170 : i32
        %jit3A_1172 = arith.constant 1 : i32
        %select_n3A_1173 = arith.select %eq3A_1171, %jit3A_1172, %jit3A_1169 : i32
        %rem3A_1174 = arith.remsi %add3A_1144, %select_n3A_1173 : i32
        %ne3A_1175 = arith.constant 0 : i32
        %ne3A_1176 = arith.cmpi ne, %rem3A_1174, %ne3A_1175 : i32
        %lt3A_1177 = arith.constant 0 : i32
        %lt3A_1178 = arith.cmpi slt, %rem3A_1174, %lt3A_1177 : i32
        %lt3A_1179 = arith.constant 0 : i32
        %lt3A_1180 = arith.cmpi slt, %select_n3A_1173, %lt3A_1179 : i32
        %ne3A_1181 = arith.xori %lt3A_1178, %lt3A_1180 : i1
        %and3A_1182 = arith.andi %ne3A_1181, %ne3A_1176 : i1
        %add3A_1183 = arith.addi %rem3A_1174, %select_n3A_1173 : i32
        %select_n3A_1184 = arith.select %and3A_1182, %add3A_1183, %rem3A_1174 : i32
        %mul3A_1185 = arith.constant 4096 : i32
        %mul3A_1186 = arith.muli %select_n3A_1168, %mul3A_1185 : i32
        %mul3A_1187 = arith.constant 512 : i32
        %mul3A_1188 = arith.muli %select_n3A_1184, %mul3A_1187 : i32
        %add3A_1189 = arith.addi %mul3A_1186, %mul3A_1188 : i32
        %multiple_of3A_1190 = tpu.assume_multiple %add3A_1189, 8 : i32
        %dma_start3A_1191 = tpu.memref_slice %arg2[%multiple_of3A_1190] : memref<819200xi32, #tpu.memory_space<hbm>> -> memref<512xi32, #tpu.memory_space<hbm>>
        %dma_start3A_1192 = tpu.memref_slice %arg2[%multiple_of3A_1190] : memref<819200xi32, #tpu.memory_space<hbm>> -> memref<512xi32, #tpu.memory_space<hbm>>
        tpu.enqueue_dma source(%dma_start3A_1192 : memref<512xi32, #tpu.memory_space<hbm>>) target(%arg5 : memref<512xi32, #tpu.memory_space<vmem>>) target_semaphore(%arg11 : memref<!tpu.dma_semaphore, #tpu.memory_space<semaphore_mem>>)
      } else {
      }
      %ge3A = arith.constant 2 : i32
      %ge3A_610 = arith.cmpi sge, %add3A_594, %ge3A : i32
      %convert_element_type3A_611 = arith.extui %ge3A_610 : i1 to i32
      %cond3A_612 = arith.constant 0 : i32
      %cond3A_613 = arith.cmpi ne, %convert_element_type3A_611, %cond3A_612 : i32
      scf.if %cond3A_613 {
        %sub3A_1140 = arith.constant 2 : i32
        %sub3A_1141 = arith.subi %add3A_594, %sub3A_1140 : i32
        %mul3A_1142 = arith.constant 32 : i32
        %mul3A_1143 = arith.muli %sub3A_1141, %mul3A_1142 : i32
        %add3A_1144 = arith.addi %add3A, %mul3A_1143 : i32
        %jit3A_1145 = arith.constant 8 : i32
        %div3A_1146 = arith.divsi %add3A_1144, %jit3A_1145 : i32
        %sign3A_1147 = arith.constant 0 : i32
        %sign3A_1148 = arith.cmpi sgt, %add3A_1144, %sign3A_1147 : i32
        %sign3A_1149 = arith.extui %sign3A_1148 : i1 to i32
        %sign3A_1150 = arith.constant 0 : i32
        %sign3A_1151 = arith.cmpi slt, %add3A_1144, %sign3A_1150 : i32
        %sign3A_1152 = arith.extui %sign3A_1151 : i1 to i32
        %sign3A_1153 = arith.subi %sign3A_1149, %sign3A_1152 : i32
        %sign3A_1154 = arith.constant 0 : i32
        %sign3A_1155 = arith.cmpi sgt, %jit3A_1145, %sign3A_1154 : i32
        %sign3A_1156 = arith.extui %sign3A_1155 : i1 to i32
        %sign3A_1157 = arith.constant 0 : i32
        %sign3A_1158 = arith.cmpi slt, %jit3A_1145, %sign3A_1157 : i32
        %sign3A_1159 = arith.extui %sign3A_1158 : i1 to i32
        %sign3A_1160 = arith.subi %sign3A_1156, %sign3A_1159 : i32
        %ne3A_1161 = arith.cmpi ne, %sign3A_1153, %sign3A_1160 : i32
        %rem3A_1162 = arith.remsi %add3A_1144, %jit3A_1145 : i32
        %ne3A_1163 = arith.constant 0 : i32
        %ne3A_1164 = arith.cmpi ne, %rem3A_1162, %ne3A_1163 : i32
        %and3A_1165 = arith.andi %ne3A_1161, %ne3A_1164 : i1
        %sub3A_1166 = arith.constant 1 : i32
        %sub3A_1167 = arith.subi %div3A_1146, %sub3A_1166 : i32
        %select_n3A_1168 = arith.select %and3A_1165, %sub3A_1167, %div3A_1146 : i32
        %jit3A_1169 = arith.constant 8 : i32
        %eq3A_1170 = arith.constant 0 : i32
        %eq3A_1171 = arith.cmpi eq, %jit3A_1169, %eq3A_1170 : i32
        %jit3A_1172 = arith.constant 1 : i32
        %select_n3A_1173 = arith.select %eq3A_1171, %jit3A_1172, %jit3A_1169 : i32
        %rem3A_1174 = arith.remsi %add3A_1144, %select_n3A_1173 : i32
        %ne3A_1175 = arith.constant 0 : i32
        %ne3A_1176 = arith.cmpi ne, %rem3A_1174, %ne3A_1175 : i32
        %lt3A_1177 = arith.constant 0 : i32
        %lt3A_1178 = arith.cmpi slt, %rem3A_1174, %lt3A_1177 : i32
        %lt3A_1179 = arith.constant 0 : i32
        %lt3A_1180 = arith.cmpi slt, %select_n3A_1173, %lt3A_1179 : i32
        %ne3A_1181 = arith.xori %lt3A_1178, %lt3A_1180 : i1
        %and3A_1182 = arith.andi %ne3A_1181, %ne3A_1176 : i1
        %add3A_1183 = arith.addi %rem3A_1174, %select_n3A_1173 : i32
        %select_n3A_1184 = arith.select %and3A_1182, %add3A_1183, %rem3A_1174 : i32
        %mul3A_1185 = arith.constant 1024 : i32
        %mul3A_1186 = arith.muli %select_n3A_1168, %mul3A_1185 : i32
        %add3A_1187 = arith.constant 0 : i32
        %add3A_1188 = arith.addi %mul3A_1186, %add3A_1187 : i32
        %mul3A_1189 = arith.constant 32 : i32
        %mul3A_1190 = arith.muli %select_n3A_1184, %mul3A_1189 : i32
        %add3A_1191 = arith.addi %add3A_1188, %mul3A_1190 : i32
        %multiple_of3A_1192 = tpu.assume_multiple %add3A_1191, 8 : i32
        %dma_wait3A_1193 = arith.constant 0 : i32
        %dma_wait3A_1194 = arith.constant 0 : i32
        %dma_wait3A_1195 = tpu.memref_slice %arg9[%dma_wait3A_1193, %dma_wait3A_1194] : memref<160x129xf32, #tpu.memory_space<vmem>> -> memref<32x128xf32, #tpu.memory_space<vmem>>
        %dma_wait3A_1196 = arith.constant 0 : i32
        %dma_wait3A_1197 = tpu.memref_slice %arg4[%multiple_of3A_1192, %dma_wait3A_1196] : memref<204800x128xf32, #tpu.memory_space<hbm>> -> memref<32x128xf32, #tpu.memory_space<hbm>>
        %dma_wait3A_1198 = arith.constant 0 : i32
        %dma_wait3A_1199 = tpu.memref_slice %arg4[%multiple_of3A_1192, %dma_wait3A_1198] : memref<204800x128xf32, #tpu.memory_space<hbm>> -> memref<32x128xf32, #tpu.memory_space<hbm>>
        %dma_wait3A_1200 = arith.constant 0 : i32
        %dma_wait3A_1201 = arith.constant 0 : i32
        %dma_wait3A_1202 = tpu.memref_slice %arg9[%dma_wait3A_1200, %dma_wait3A_1201] : memref<160x129xf32, #tpu.memory_space<vmem>> -> memref<32x128xf32, #tpu.memory_space<vmem>>
        tpu.wait_dma2 semaphore(%arg15 : memref<!tpu.dma_semaphore, #tpu.memory_space<semaphore_mem>>) src(%dma_wait3A_1202 : memref<32x128xf32, #tpu.memory_space<vmem>>) dst(%dma_wait3A_1199 : memref<32x128xf32, #tpu.memory_space<hbm>>)
        %sub3A_1203 = arith.constant 2 : i32
        %sub3A_1204 = arith.subi %add3A_594, %sub3A_1203 : i32
        %mul3A_1205 = arith.constant 32 : i32
        %mul3A_1206 = arith.muli %sub3A_1204, %mul3A_1205 : i32
        %add3A_1207 = arith.addi %add3A, %mul3A_1206 : i32
        %jit3A_1208 = arith.constant 8 : i32
        %div3A_1209 = arith.divsi %add3A_1207, %jit3A_1208 : i32
        %sign3A_1210 = arith.constant 0 : i32
        %sign3A_1211 = arith.cmpi sgt, %add3A_1207, %sign3A_1210 : i32
        %sign3A_1212 = arith.extui %sign3A_1211 : i1 to i32
        %sign3A_1213 = arith.constant 0 : i32
        %sign3A_1214 = arith.cmpi slt, %add3A_1207, %sign3A_1213 : i32
        %sign3A_1215 = arith.extui %sign3A_1214 : i1 to i32
        %sign3A_1216 = arith.subi %sign3A_1212, %sign3A_1215 : i32
        %sign3A_1217 = arith.constant 0 : i32
        %sign3A_1218 = arith.cmpi sgt, %jit3A_1208, %sign3A_1217 : i32
        %sign3A_1219 = arith.extui %sign3A_1218 : i1 to i32
        %sign3A_1220 = arith.constant 0 : i32
        %sign3A_1221 = arith.cmpi slt, %jit3A_1208, %sign3A_1220 : i32
        %sign3A_1222 = arith.extui %sign3A_1221 : i1 to i32
        %sign3A_1223 = arith.subi %sign3A_1219, %sign3A_1222 : i32
        %ne3A_1224 = arith.cmpi ne, %sign3A_1216, %sign3A_1223 : i32
        %rem3A_1225 = arith.remsi %add3A_1207, %jit3A_1208 : i32
        %ne3A_1226 = arith.constant 0 : i32
        %ne3A_1227 = arith.cmpi ne, %rem3A_1225, %ne3A_1226 : i32
        %and3A_1228 = arith.andi %ne3A_1224, %ne3A_1227 : i1
        %sub3A_1229 = arith.constant 1 : i32
        %sub3A_1230 = arith.subi %div3A_1209, %sub3A_1229 : i32
        %select_n3A_1231 = arith.select %and3A_1228, %sub3A_1230, %div3A_1209 : i32
        %jit3A_1232 = arith.constant 8 : i32
        %eq3A_1233 = arith.constant 0 : i32
        %eq3A_1234 = arith.cmpi eq, %jit3A_1232, %eq3A_1233 : i32
        %jit3A_1235 = arith.constant 1 : i32
        %select_n3A_1236 = arith.select %eq3A_1234, %jit3A_1235, %jit3A_1232 : i32
        %rem3A_1237 = arith.remsi %add3A_1207, %select_n3A_1236 : i32
        %ne3A_1238 = arith.constant 0 : i32
        %ne3A_1239 = arith.cmpi ne, %rem3A_1237, %ne3A_1238 : i32
        %lt3A_1240 = arith.constant 0 : i32
        %lt3A_1241 = arith.cmpi slt, %rem3A_1237, %lt3A_1240 : i32
        %lt3A_1242 = arith.constant 0 : i32
        %lt3A_1243 = arith.cmpi slt, %select_n3A_1236, %lt3A_1242 : i32
        %ne3A_1244 = arith.xori %lt3A_1241, %lt3A_1243 : i1
        %and3A_1245 = arith.andi %ne3A_1244, %ne3A_1239 : i1
        %add3A_1246 = arith.addi %rem3A_1237, %select_n3A_1236 : i32
        %select_n3A_1247 = arith.select %and3A_1245, %add3A_1246, %rem3A_1237 : i32
        %mul3A_1248 = arith.constant 1024 : i32
        %mul3A_1249 = arith.muli %select_n3A_1231, %mul3A_1248 : i32
        %add3A_1250 = arith.constant 256 : i32
        %add3A_1251 = arith.addi %mul3A_1249, %add3A_1250 : i32
        %mul3A_1252 = arith.constant 32 : i32
        %mul3A_1253 = arith.muli %select_n3A_1247, %mul3A_1252 : i32
        %add3A_1254 = arith.addi %add3A_1251, %mul3A_1253 : i32
        %multiple_of3A_1255 = tpu.assume_multiple %add3A_1254, 8 : i32
        %dma_wait3A_1256 = arith.constant 40 : i32
        %dma_wait3A_1257 = arith.constant 0 : i32
        %dma_wait3A_1258 = tpu.memref_slice %arg9[%dma_wait3A_1256, %dma_wait3A_1257] : memref<160x129xf32, #tpu.memory_space<vmem>> -> memref<32x128xf32, #tpu.memory_space<vmem>>
        %dma_wait3A_1259 = arith.constant 0 : i32
        %dma_wait3A_1260 = tpu.memref_slice %arg4[%multiple_of3A_1255, %dma_wait3A_1259] : memref<204800x128xf32, #tpu.memory_space<hbm>> -> memref<32x128xf32, #tpu.memory_space<hbm>>
        %dma_wait3A_1261 = arith.constant 0 : i32
        %dma_wait3A_1262 = tpu.memref_slice %arg4[%multiple_of3A_1255, %dma_wait3A_1261] : memref<204800x128xf32, #tpu.memory_space<hbm>> -> memref<32x128xf32, #tpu.memory_space<hbm>>
        %dma_wait3A_1263 = arith.constant 40 : i32
        %dma_wait3A_1264 = arith.constant 0 : i32
        %dma_wait3A_1265 = tpu.memref_slice %arg9[%dma_wait3A_1263, %dma_wait3A_1264] : memref<160x129xf32, #tpu.memory_space<vmem>> -> memref<32x128xf32, #tpu.memory_space<vmem>>
        tpu.wait_dma2 semaphore(%arg15 : memref<!tpu.dma_semaphore, #tpu.memory_space<semaphore_mem>>) src(%dma_wait3A_1265 : memref<32x128xf32, #tpu.memory_space<vmem>>) dst(%dma_wait3A_1262 : memref<32x128xf32, #tpu.memory_space<hbm>>)
        %sub3A_1266 = arith.constant 2 : i32
        %sub3A_1267 = arith.subi %add3A_594, %sub3A_1266 : i32
        %mul3A_1268 = arith.constant 32 : i32
        %mul3A_1269 = arith.muli %sub3A_1267, %mul3A_1268 : i32
        %add3A_1270 = arith.addi %add3A, %mul3A_1269 : i32
        %jit3A_1271 = arith.constant 8 : i32
        %div3A_1272 = arith.divsi %add3A_1270, %jit3A_1271 : i32
        %sign3A_1273 = arith.constant 0 : i32
        %sign3A_1274 = arith.cmpi sgt, %add3A_1270, %sign3A_1273 : i32
        %sign3A_1275 = arith.extui %sign3A_1274 : i1 to i32
        %sign3A_1276 = arith.constant 0 : i32
        %sign3A_1277 = arith.cmpi slt, %add3A_1270, %sign3A_1276 : i32
        %sign3A_1278 = arith.extui %sign3A_1277 : i1 to i32
        %sign3A_1279 = arith.subi %sign3A_1275, %sign3A_1278 : i32
        %sign3A_1280 = arith.constant 0 : i32
        %sign3A_1281 = arith.cmpi sgt, %jit3A_1271, %sign3A_1280 : i32
        %sign3A_1282 = arith.extui %sign3A_1281 : i1 to i32
        %sign3A_1283 = arith.constant 0 : i32
        %sign3A_1284 = arith.cmpi slt, %jit3A_1271, %sign3A_1283 : i32
        %sign3A_1285 = arith.extui %sign3A_1284 : i1 to i32
        %sign3A_1286 = arith.subi %sign3A_1282, %sign3A_1285 : i32
        %ne3A_1287 = arith.cmpi ne, %sign3A_1279, %sign3A_1286 : i32
        %rem3A_1288 = arith.remsi %add3A_1270, %jit3A_1271 : i32
        %ne3A_1289 = arith.constant 0 : i32
        %ne3A_1290 = arith.cmpi ne, %rem3A_1288, %ne3A_1289 : i32
        %and3A_1291 = arith.andi %ne3A_1287, %ne3A_1290 : i1
        %sub3A_1292 = arith.constant 1 : i32
        %sub3A_1293 = arith.subi %div3A_1272, %sub3A_1292 : i32
        %select_n3A_1294 = arith.select %and3A_1291, %sub3A_1293, %div3A_1272 : i32
        %jit3A_1295 = arith.constant 8 : i32
        %eq3A_1296 = arith.constant 0 : i32
        %eq3A_1297 = arith.cmpi eq, %jit3A_1295, %eq3A_1296 : i32
        %jit3A_1298 = arith.constant 1 : i32
        %select_n3A_1299 = arith.select %eq3A_1297, %jit3A_1298, %jit3A_1295 : i32
        %rem3A_1300 = arith.remsi %add3A_1270, %select_n3A_1299 : i32
        %ne3A_1301 = arith.constant 0 : i32
        %ne3A_1302 = arith.cmpi ne, %rem3A_1300, %ne3A_1301 : i32
        %lt3A_1303 = arith.constant 0 : i32
        %lt3A_1304 = arith.cmpi slt, %rem3A_1300, %lt3A_1303 : i32
        %lt3A_1305 = arith.constant 0 : i32
        %lt3A_1306 = arith.cmpi slt, %select_n3A_1299, %lt3A_1305 : i32
        %ne3A_1307 = arith.xori %lt3A_1304, %lt3A_1306 : i1
        %and3A_1308 = arith.andi %ne3A_1307, %ne3A_1302 : i1
        %add3A_1309 = arith.addi %rem3A_1300, %select_n3A_1299 : i32
        %select_n3A_1310 = arith.select %and3A_1308, %add3A_1309, %rem3A_1300 : i32
        %mul3A_1311 = arith.constant 1024 : i32
        %mul3A_1312 = arith.muli %select_n3A_1294, %mul3A_1311 : i32
        %add3A_1313 = arith.constant 512 : i32
        %add3A_1314 = arith.addi %mul3A_1312, %add3A_1313 : i32
        %mul3A_1315 = arith.constant 32 : i32
        %mul3A_1316 = arith.muli %select_n3A_1310, %mul3A_1315 : i32
        %add3A_1317 = arith.addi %add3A_1314, %mul3A_1316 : i32
        %multiple_of3A_1318 = tpu.assume_multiple %add3A_1317, 8 : i32
        %dma_wait3A_1319 = arith.constant 80 : i32
        %dma_wait3A_1320 = arith.constant 0 : i32
        %dma_wait3A_1321 = tpu.memref_slice %arg9[%dma_wait3A_1319, %dma_wait3A_1320] : memref<160x129xf32, #tpu.memory_space<vmem>> -> memref<32x128xf32, #tpu.memory_space<vmem>>
        %dma_wait3A_1322 = arith.constant 0 : i32
        %dma_wait3A_1323 = tpu.memref_slice %arg4[%multiple_of3A_1318, %dma_wait3A_1322] : memref<204800x128xf32, #tpu.memory_space<hbm>> -> memref<32x128xf32, #tpu.memory_space<hbm>>
        %dma_wait3A_1324 = arith.constant 0 : i32
        %dma_wait3A_1325 = tpu.memref_slice %arg4[%multiple_of3A_1318, %dma_wait3A_1324] : memref<204800x128xf32, #tpu.memory_space<hbm>> -> memref<32x128xf32, #tpu.memory_space<hbm>>
        %dma_wait3A_1326 = arith.constant 80 : i32
        %dma_wait3A_1327 = arith.constant 0 : i32
        %dma_wait3A_1328 = tpu.memref_slice %arg9[%dma_wait3A_1326, %dma_wait3A_1327] : memref<160x129xf32, #tpu.memory_space<vmem>> -> memref<32x128xf32, #tpu.memory_space<vmem>>
        tpu.wait_dma2 semaphore(%arg15 : memref<!tpu.dma_semaphore, #tpu.memory_space<semaphore_mem>>) src(%dma_wait3A_1328 : memref<32x128xf32, #tpu.memory_space<vmem>>) dst(%dma_wait3A_1325 : memref<32x128xf32, #tpu.memory_space<hbm>>)
        %sub3A_1329 = arith.constant 2 : i32
        %sub3A_1330 = arith.subi %add3A_594, %sub3A_1329 : i32
        %mul3A_1331 = arith.constant 32 : i32
        %mul3A_1332 = arith.muli %sub3A_1330, %mul3A_1331 : i32
        %add3A_1333 = arith.addi %add3A, %mul3A_1332 : i32
        %jit3A_1334 = arith.constant 8 : i32
        %div3A_1335 = arith.divsi %add3A_1333, %jit3A_1334 : i32
        %sign3A_1336 = arith.constant 0 : i32
        %sign3A_1337 = arith.cmpi sgt, %add3A_1333, %sign3A_1336 : i32
        %sign3A_1338 = arith.extui %sign3A_1337 : i1 to i32
        %sign3A_1339 = arith.constant 0 : i32
        %sign3A_1340 = arith.cmpi slt, %add3A_1333, %sign3A_1339 : i32
        %sign3A_1341 = arith.extui %sign3A_1340 : i1 to i32
        %sign3A_1342 = arith.subi %sign3A_1338, %sign3A_1341 : i32
        %sign3A_1343 = arith.constant 0 : i32
        %sign3A_1344 = arith.cmpi sgt, %jit3A_1334, %sign3A_1343 : i32
        %sign3A_1345 = arith.extui %sign3A_1344 : i1 to i32
        %sign3A_1346 = arith.constant 0 : i32
        %sign3A_1347 = arith.cmpi slt, %jit3A_1334, %sign3A_1346 : i32
        %sign3A_1348 = arith.extui %sign3A_1347 : i1 to i32
        %sign3A_1349 = arith.subi %sign3A_1345, %sign3A_1348 : i32
        %ne3A_1350 = arith.cmpi ne, %sign3A_1342, %sign3A_1349 : i32
        %rem3A_1351 = arith.remsi %add3A_1333, %jit3A_1334 : i32
        %ne3A_1352 = arith.constant 0 : i32
        %ne3A_1353 = arith.cmpi ne, %rem3A_1351, %ne3A_1352 : i32
        %and3A_1354 = arith.andi %ne3A_1350, %ne3A_1353 : i1
        %sub3A_1355 = arith.constant 1 : i32
        %sub3A_1356 = arith.subi %div3A_1335, %sub3A_1355 : i32
        %select_n3A_1357 = arith.select %and3A_1354, %sub3A_1356, %div3A_1335 : i32
        %jit3A_1358 = arith.constant 8 : i32
        %eq3A_1359 = arith.constant 0 : i32
        %eq3A_1360 = arith.cmpi eq, %jit3A_1358, %eq3A_1359 : i32
        %jit3A_1361 = arith.constant 1 : i32
        %select_n3A_1362 = arith.select %eq3A_1360, %jit3A_1361, %jit3A_1358 : i32
        %rem3A_1363 = arith.remsi %add3A_1333, %select_n3A_1362 : i32
        %ne3A_1364 = arith.constant 0 : i32
        %ne3A_1365 = arith.cmpi ne, %rem3A_1363, %ne3A_1364 : i32
        %lt3A_1366 = arith.constant 0 : i32
        %lt3A_1367 = arith.cmpi slt, %rem3A_1363, %lt3A_1366 : i32
        %lt3A_1368 = arith.constant 0 : i32
        %lt3A_1369 = arith.cmpi slt, %select_n3A_1362, %lt3A_1368 : i32
        %ne3A_1370 = arith.xori %lt3A_1367, %lt3A_1369 : i1
        %and3A_1371 = arith.andi %ne3A_1370, %ne3A_1365 : i1
        %add3A_1372 = arith.addi %rem3A_1363, %select_n3A_1362 : i32
        %select_n3A_1373 = arith.select %and3A_1371, %add3A_1372, %rem3A_1363 : i32
        %mul3A_1374 = arith.constant 1024 : i32
        %mul3A_1375 = arith.muli %select_n3A_1357, %mul3A_1374 : i32
        %add3A_1376 = arith.constant 768 : i32
        %add3A_1377 = arith.addi %mul3A_1375, %add3A_1376 : i32
        %mul3A_1378 = arith.constant 32 : i32
        %mul3A_1379 = arith.muli %select_n3A_1373, %mul3A_1378 : i32
        %add3A_1380 = arith.addi %add3A_1377, %mul3A_1379 : i32
        %multiple_of3A_1381 = tpu.assume_multiple %add3A_1380, 8 : i32
        %dma_wait3A_1382 = arith.constant 120 : i32
        %dma_wait3A_1383 = arith.constant 0 : i32
        %dma_wait3A_1384 = tpu.memref_slice %arg9[%dma_wait3A_1382, %dma_wait3A_1383] : memref<160x129xf32, #tpu.memory_space<vmem>> -> memref<32x128xf32, #tpu.memory_space<vmem>>
        %dma_wait3A_1385 = arith.constant 0 : i32
        %dma_wait3A_1386 = tpu.memref_slice %arg4[%multiple_of3A_1381, %dma_wait3A_1385] : memref<204800x128xf32, #tpu.memory_space<hbm>> -> memref<32x128xf32, #tpu.memory_space<hbm>>
        %dma_wait3A_1387 = arith.constant 0 : i32
        %dma_wait3A_1388 = tpu.memref_slice %arg4[%multiple_of3A_1381, %dma_wait3A_1387] : memref<204800x128xf32, #tpu.memory_space<hbm>> -> memref<32x128xf32, #tpu.memory_space<hbm>>
        %dma_wait3A_1389 = arith.constant 120 : i32
        %dma_wait3A_1390 = arith.constant 0 : i32
        %dma_wait3A_1391 = tpu.memref_slice %arg9[%dma_wait3A_1389, %dma_wait3A_1390] : memref<160x129xf32, #tpu.memory_space<vmem>> -> memref<32x128xf32, #tpu.memory_space<vmem>>
        tpu.wait_dma2 semaphore(%arg15 : memref<!tpu.dma_semaphore, #tpu.memory_space<semaphore_mem>>) src(%dma_wait3A_1391 : memref<32x128xf32, #tpu.memory_space<vmem>>) dst(%dma_wait3A_1388 : memref<32x128xf32, #tpu.memory_space<hbm>>)
      } else {
      }
      %scan3A_614 = arith.constant 0 : i32
      %scan3A_615 = arith.constant 0 : i32
      %scan3A_616 = arith.constant 64 : i32
      %scan3A_617 = arith.addi %scan3A_615, %scan3A_616 : i32
      %scan3A_618 = arith.constant 1 : i32
      scf.for %scan3A_1140 = %scan3A_615 to %scan3A_617 step %scan3A_618  : i32 {
        %mul3A_1141 = arith.constant 8 : i32
        %mul3A_1142 = arith.muli %scan3A_1140, %mul3A_1141 : i32
        %shift_right_arithmetic3A_1143 = arith.constant 7 : i32
        %shift_right_arithmetic3A_1144 = arith.shrsi %mul3A_1142, %shift_right_arithmetic3A_1143 : i32
        %mul3A_1145 = arith.constant 8 : i32
        %mul3A_1146 = arith.muli %shift_right_arithmetic3A_1144, %mul3A_1145 : i32
        %broadcast_in_dim3A = vector.broadcast %mul3A_1146 : i32 to vector<16xi32>
        %add3A_1147 = arith.addi %add3A_8, %broadcast_in_dim3A : vector<16xi32>
        %add3A_1148 = arith.addi %add3A_11, %broadcast_in_dim3A : vector<16xi32>
        %and3A_1149 = arith.constant 127 : i32
        %and3A_1150 = arith.andi %mul3A_1142, %and3A_1149 : i32
        %add3A_1151 = arith.constant 0 : i32
        %add3A_1152 = arith.addi %mul3A_1142, %add3A_1151 : i32
        %get3A = arith.index_cast %add3A_1152 : i32 to index
        %get3A_1153 = arith.constant 0 : index
        %get3A_1154 = tpu.vector_load %arg7[%get3A, %get3A_1153] {strides = array<i32>} : memref<512x32xf32, #tpu.memory_space<vmem>>, vector<16xf32>,
        %get3A_1155 = arith.index_cast %add3A_1152 : i32 to index
        %get3A_1156 = arith.constant 16 : index
        %get3A_1157 = tpu.vector_load %arg7[%get3A_1155, %get3A_1156] {strides = array<i32>} : memref<512x32xf32, #tpu.memory_space<vmem>>, vector<16xf32>,
        %add3A_1158 = arith.constant 1 : i32
        %add3A_1159 = arith.addi %mul3A_1142, %add3A_1158 : i32
        %get3A_1160 = arith.index_cast %add3A_1159 : i32 to index
        %get3A_1161 = arith.constant 0 : index
        %get3A_1162 = tpu.vector_load %arg7[%get3A_1160, %get3A_1161] {strides = array<i32>} : memref<512x32xf32, #tpu.memory_space<vmem>>, vector<16xf32>,
        %get3A_1163 = arith.index_cast %add3A_1159 : i32 to index
        %get3A_1164 = arith.constant 16 : index
        %get3A_1165 = tpu.vector_load %arg7[%get3A_1163, %get3A_1164] {strides = array<i32>} : memref<512x32xf32, #tpu.memory_space<vmem>>, vector<16xf32>,
        %add3A_1166 = arith.constant 2 : i32
        %add3A_1167 = arith.addi %mul3A_1142, %add3A_1166 : i32
        %get3A_1168 = arith.index_cast %add3A_1167 : i32 to index
        %get3A_1169 = arith.constant 0 : index
        %get3A_1170 = tpu.vector_load %arg7[%get3A_1168, %get3A_1169] {strides = array<i32>} : memref<512x32xf32, #tpu.memory_space<vmem>>, vector<16xf32>,
        %get3A_1171 = arith.index_cast %add3A_1167 : i32 to index
        %get3A_1172 = arith.constant 16 : index
        %get3A_1173 = tpu.vector_load %arg7[%get3A_1171, %get3A_1172] {strides = array<i32>} : memref<512x32xf32, #tpu.memory_space<vmem>>, vector<16xf32>,
        %add3A_1174 = arith.constant 3 : i32
        %add3A_1175 = arith.addi %mul3A_1142, %add3A_1174 : i32
        %get3A_1176 = arith.index_cast %add3A_1175 : i32 to index
        %get3A_1177 = arith.constant 0 : index
        %get3A_1178 = tpu.vector_load %arg7[%get3A_1176, %get3A_1177] {strides = array<i32>} : memref<512x32xf32, #tpu.memory_space<vmem>>, vector<16xf32>,
        %get3A_1179 = arith.index_cast %add3A_1175 : i32 to index
        %get3A_1180 = arith.constant 16 : index
        %get3A_1181 = tpu.vector_load %arg7[%get3A_1179, %get3A_1180] {strides = array<i32>} : memref<512x32xf32, #tpu.memory_space<vmem>>, vector<16xf32>,
        %add3A_1182 = arith.constant 4 : i32
        %add3A_1183 = arith.addi %mul3A_1142, %add3A_1182 : i32
        %get3A_1184 = arith.index_cast %add3A_1183 : i32 to index
        %get3A_1185 = arith.constant 0 : index
        %get3A_1186 = tpu.vector_load %arg7[%get3A_1184, %get3A_1185] {strides = array<i32>} : memref<512x32xf32, #tpu.memory_space<vmem>>, vector<16xf32>,
        %get3A_1187 = arith.index_cast %add3A_1183 : i32 to index
        %get3A_1188 = arith.constant 16 : index
        %get3A_1189 = tpu.vector_load %arg7[%get3A_1187, %get3A_1188] {strides = array<i32>} : memref<512x32xf32, #tpu.memory_space<vmem>>, vector<16xf32>,
        %add3A_1190 = arith.constant 5 : i32
        %add3A_1191 = arith.addi %mul3A_1142, %add3A_1190 : i32
        %get3A_1192 = arith.index_cast %add3A_1191 : i32 to index
        %get3A_1193 = arith.constant 0 : index
        %get3A_1194 = tpu.vector_load %arg7[%get3A_1192, %get3A_1193] {strides = array<i32>} : memref<512x32xf32, #tpu.memory_space<vmem>>, vector<16xf32>,
        %get3A_1195 = arith.index_cast %add3A_1191 : i32 to index
        %get3A_1196 = arith.constant 16 : index
        %get3A_1197 = tpu.vector_load %arg7[%get3A_1195, %get3A_1196] {strides = array<i32>} : memref<512x32xf32, #tpu.memory_space<vmem>>, vector<16xf32>,
        %add3A_1198 = arith.constant 6 : i32
        %add3A_1199 = arith.addi %mul3A_1142, %add3A_1198 : i32
        %get3A_1200 = arith.index_cast %add3A_1199 : i32 to index
        %get3A_1201 = arith.constant 0 : index
        %get3A_1202 = tpu.vector_load %arg7[%get3A_1200, %get3A_1201] {strides = array<i32>} : memref<512x32xf32, #tpu.memory_space<vmem>>, vector<16xf32>,
        %get3A_1203 = arith.index_cast %add3A_1199 : i32 to index
        %get3A_1204 = arith.constant 16 : index
        %get3A_1205 = tpu.vector_load %arg7[%get3A_1203, %get3A_1204] {strides = array<i32>} : memref<512x32xf32, #tpu.memory_space<vmem>>, vector<16xf32>,
        %add3A_1206 = arith.constant 7 : i32
        %add3A_1207 = arith.addi %mul3A_1142, %add3A_1206 : i32
        %get3A_1208 = arith.index_cast %add3A_1207 : i32 to index
        %get3A_1209 = arith.constant 0 : index
        %get3A_1210 = tpu.vector_load %arg7[%get3A_1208, %get3A_1209] {strides = array<i32>} : memref<512x32xf32, #tpu.memory_space<vmem>>, vector<16xf32>,
        %get3A_1211 = arith.index_cast %add3A_1207 : i32 to index
        %get3A_1212 = arith.constant 16 : index
        %get3A_1213 = tpu.vector_load %arg7[%get3A_1211, %get3A_1212] {strides = array<i32>} : memref<512x32xf32, #tpu.memory_space<vmem>>, vector<16xf32>,
        %add3A_1214 = arith.constant 0 : i32
        %add3A_1215 = arith.addi %and3A_1150, %add3A_1214 : i32
        %broadcast_in_dim3A_1216 = vector.broadcast %add3A_1215 : i32 to vector<16xi32>
        tpu.vector_store_idx %arg9[%add3A_1147, %broadcast_in_dim3A_1216], %get3A_1154 : memref<160x129xf32, #tpu.memory_space<vmem>>[vector<16xi32>, vector<16xi32>], vector<16xf32>,
        tpu.vector_store_idx %arg9[%add3A_1148, %broadcast_in_dim3A_1216], %get3A_1157 : memref<160x129xf32, #tpu.memory_space<vmem>>[vector<16xi32>, vector<16xi32>], vector<16xf32>,
        %add3A_1217 = arith.constant 1 : i32
        %add3A_1218 = arith.addi %and3A_1150, %add3A_1217 : i32
        %broadcast_in_dim3A_1219 = vector.broadcast %add3A_1218 : i32 to vector<16xi32>
        tpu.vector_store_idx %arg9[%add3A_1147, %broadcast_in_dim3A_1219], %get3A_1162 : memref<160x129xf32, #tpu.memory_space<vmem>>[vector<16xi32>, vector<16xi32>], vector<16xf32>,
        tpu.vector_store_idx %arg9[%add3A_1148, %broadcast_in_dim3A_1219], %get3A_1165 : memref<160x129xf32, #tpu.memory_space<vmem>>[vector<16xi32>, vector<16xi32>], vector<16xf32>,
        %add3A_1220 = arith.constant 2 : i32
        %add3A_1221 = arith.addi %and3A_1150, %add3A_1220 : i32
        %broadcast_in_dim3A_1222 = vector.broadcast %add3A_1221 : i32 to vector<16xi32>
        tpu.vector_store_idx %arg9[%add3A_1147, %broadcast_in_dim3A_1222], %get3A_1170 : memref<160x129xf32, #tpu.memory_space<vmem>>[vector<16xi32>, vector<16xi32>], vector<16xf32>,
        tpu.vector_store_idx %arg9[%add3A_1148, %broadcast_in_dim3A_1222], %get3A_1173 : memref<160x129xf32, #tpu.memory_space<vmem>>[vector<16xi32>, vector<16xi32>], vector<16xf32>,
        %add3A_1223 = arith.constant 3 : i32
        %add3A_1224 = arith.addi %and3A_1150, %add3A_1223 : i32
        %broadcast_in_dim3A_1225 = vector.broadcast %add3A_1224 : i32 to vector<16xi32>
        tpu.vector_store_idx %arg9[%add3A_1147, %broadcast_in_dim3A_1225], %get3A_1178 : memref<160x129xf32, #tpu.memory_space<vmem>>[vector<16xi32>, vector<16xi32>], vector<16xf32>,
        tpu.vector_store_idx %arg9[%add3A_1148, %broadcast_in_dim3A_1225], %get3A_1181 : memref<160x129xf32, #tpu.memory_space<vmem>>[vector<16xi32>, vector<16xi32>], vector<16xf32>,
        %add3A_1226 = arith.constant 4 : i32
        %add3A_1227 = arith.addi %and3A_1150, %add3A_1226 : i32
        %broadcast_in_dim3A_1228 = vector.broadcast %add3A_1227 : i32 to vector<16xi32>
        tpu.vector_store_idx %arg9[%add3A_1147, %broadcast_in_dim3A_1228], %get3A_1186 : memref<160x129xf32, #tpu.memory_space<vmem>>[vector<16xi32>, vector<16xi32>], vector<16xf32>,
        tpu.vector_store_idx %arg9[%add3A_1148, %broadcast_in_dim3A_1228], %get3A_1189 : memref<160x129xf32, #tpu.memory_space<vmem>>[vector<16xi32>, vector<16xi32>], vector<16xf32>,
        %add3A_1229 = arith.constant 5 : i32
        %add3A_1230 = arith.addi %and3A_1150, %add3A_1229 : i32
        %broadcast_in_dim3A_1231 = vector.broadcast %add3A_1230 : i32 to vector<16xi32>
        tpu.vector_store_idx %arg9[%add3A_1147, %broadcast_in_dim3A_1231], %get3A_1194 : memref<160x129xf32, #tpu.memory_space<vmem>>[vector<16xi32>, vector<16xi32>], vector<16xf32>,
        tpu.vector_store_idx %arg9[%add3A_1148, %broadcast_in_dim3A_1231], %get3A_1197 : memref<160x129xf32, #tpu.memory_space<vmem>>[vector<16xi32>, vector<16xi32>], vector<16xf32>,
        %add3A_1232 = arith.constant 6 : i32
        %add3A_1233 = arith.addi %and3A_1150, %add3A_1232 : i32
        %broadcast_in_dim3A_1234 = vector.broadcast %add3A_1233 : i32 to vector<16xi32>
        tpu.vector_store_idx %arg9[%add3A_1147, %broadcast_in_dim3A_1234], %get3A_1202 : memref<160x129xf32, #tpu.memory_space<vmem>>[vector<16xi32>, vector<16xi32>], vector<16xf32>,
        tpu.vector_store_idx %arg9[%add3A_1148, %broadcast_in_dim3A_1234], %get3A_1205 : memref<160x129xf32, #tpu.memory_space<vmem>>[vector<16xi32>, vector<16xi32>], vector<16xf32>,
        %add3A_1235 = arith.constant 7 : i32
        %add3A_1236 = arith.addi %and3A_1150, %add3A_1235 : i32
        %broadcast_in_dim3A_1237 = vector.broadcast %add3A_1236 : i32 to vector<16xi32>
        tpu.vector_store_idx %arg9[%add3A_1147, %broadcast_in_dim3A_1237], %get3A_1210 : memref<160x129xf32, #tpu.memory_space<vmem>>[vector<16xi32>, vector<16xi32>], vector<16xf32>,
        tpu.vector_store_idx %arg9[%add3A_1148, %broadcast_in_dim3A_1237], %get3A_1213 : memref<160x129xf32, #tpu.memory_space<vmem>>[vector<16xi32>, vector<16xi32>], vector<16xf32>,
      }
      %scan3A_619 = arith.constant 64 : i32
      %mul3A_620 = arith.constant 32 : i32
      %mul3A_621 = arith.muli %add3A_594, %mul3A_620 : i32
      %add3A_622 = arith.addi %add3A, %mul3A_621 : i32
      %jit3A_623 = arith.constant 8 : i32
      %div3A_624 = arith.divsi %add3A_622, %jit3A_623 : i32
      %sign3A_625 = arith.constant 0 : i32
      %sign3A_626 = arith.cmpi sgt, %add3A_622, %sign3A_625 : i32
      %sign3A_627 = arith.extui %sign3A_626 : i1 to i32
      %sign3A_628 = arith.constant 0 : i32
      %sign3A_629 = arith.cmpi slt, %add3A_622, %sign3A_628 : i32
      %sign3A_630 = arith.extui %sign3A_629 : i1 to i32
      %sign3A_631 = arith.subi %sign3A_627, %sign3A_630 : i32
      %sign3A_632 = arith.constant 0 : i32
      %sign3A_633 = arith.cmpi sgt, %jit3A_623, %sign3A_632 : i32
      %sign3A_634 = arith.extui %sign3A_633 : i1 to i32
      %sign3A_635 = arith.constant 0 : i32
      %sign3A_636 = arith.cmpi slt, %jit3A_623, %sign3A_635 : i32
      %sign3A_637 = arith.extui %sign3A_636 : i1 to i32
      %sign3A_638 = arith.subi %sign3A_634, %sign3A_637 : i32
      %ne3A_639 = arith.cmpi ne, %sign3A_631, %sign3A_638 : i32
      %rem3A_640 = arith.remsi %add3A_622, %jit3A_623 : i32
      %ne3A_641 = arith.constant 0 : i32
      %ne3A_642 = arith.cmpi ne, %rem3A_640, %ne3A_641 : i32
      %and3A_643 = arith.andi %ne3A_639, %ne3A_642 : i1
      %sub3A_644 = arith.constant 1 : i32
      %sub3A_645 = arith.subi %div3A_624, %sub3A_644 : i32
      %select_n3A_646 = arith.select %and3A_643, %sub3A_645, %div3A_624 : i32
      %jit3A_647 = arith.constant 8 : i32
      %eq3A_648 = arith.constant 0 : i32
      %eq3A_649 = arith.cmpi eq, %jit3A_647, %eq3A_648 : i32
      %jit3A_650 = arith.constant 1 : i32
      %select_n3A_651 = arith.select %eq3A_649, %jit3A_650, %jit3A_647 : i32
      %rem3A_652 = arith.remsi %add3A_622, %select_n3A_651 : i32
      %ne3A_653 = arith.constant 0 : i32
      %ne3A_654 = arith.cmpi ne, %rem3A_652, %ne3A_653 : i32
      %lt3A_655 = arith.constant 0 : i32
      %lt3A_656 = arith.cmpi slt, %rem3A_652, %lt3A_655 : i32
      %lt3A_657 = arith.constant 0 : i32
      %lt3A_658 = arith.cmpi slt, %select_n3A_651, %lt3A_657 : i32
      %ne3A_659 = arith.xori %lt3A_656, %lt3A_658 : i1
      %and3A_660 = arith.andi %ne3A_659, %ne3A_654 : i1
      %add3A_661 = arith.addi %rem3A_652, %select_n3A_651 : i32
      %select_n3A_662 = arith.select %and3A_660, %add3A_661, %rem3A_652 : i32
      %mul3A_663 = arith.constant 1024 : i32
      %mul3A_664 = arith.muli %select_n3A_646, %mul3A_663 : i32
      %add3A_665 = arith.constant 0 : i32
      %add3A_666 = arith.addi %mul3A_664, %add3A_665 : i32
      %mul3A_667 = arith.constant 32 : i32
      %mul3A_668 = arith.muli %select_n3A_662, %mul3A_667 : i32
      %add3A_669 = arith.addi %add3A_666, %mul3A_668 : i32
      %multiple_of3A_670 = tpu.assume_multiple %add3A_669, 8 : i32
      %dma_start3A_671 = arith.constant 0 : i32
      %dma_start3A_672 = arith.constant 0 : i32
      %dma_start3A_673 = tpu.memref_slice %arg9[%dma_start3A_671, %dma_start3A_672] : memref<160x129xf32, #tpu.memory_space<vmem>> -> memref<32x128xf32, #tpu.memory_space<vmem>>
      %dma_start3A_674 = arith.constant 0 : i32
      %dma_start3A_675 = tpu.memref_slice %arg4[%multiple_of3A_670, %dma_start3A_674] : memref<204800x128xf32, #tpu.memory_space<hbm>> -> memref<32x128xf32, #tpu.memory_space<hbm>>
      %dma_start3A_676 = arith.constant 0 : i32
      %dma_start3A_677 = tpu.memref_slice %arg4[%multiple_of3A_670, %dma_start3A_676] : memref<204800x128xf32, #tpu.memory_space<hbm>> -> memref<32x128xf32, #tpu.memory_space<hbm>>
      %dma_start3A_678 = arith.constant 0 : i32
      %dma_start3A_679 = arith.constant 0 : i32
      %dma_start3A_680 = tpu.memref_slice %arg9[%dma_start3A_678, %dma_start3A_679] : memref<160x129xf32, #tpu.memory_space<vmem>> -> memref<32x128xf32, #tpu.memory_space<vmem>>
      tpu.enqueue_dma source(%dma_start3A_680 : memref<32x128xf32, #tpu.memory_space<vmem>>) target(%dma_start3A_677 : memref<32x128xf32, #tpu.memory_space<hbm>>) target_semaphore(%arg15 : memref<!tpu.dma_semaphore, #tpu.memory_space<semaphore_mem>>)
      %mul3A_681 = arith.constant 32 : i32
      %mul3A_682 = arith.muli %add3A_594, %mul3A_681 : i32
      %add3A_683 = arith.addi %add3A, %mul3A_682 : i32
      %jit3A_684 = arith.constant 8 : i32
      %div3A_685 = arith.divsi %add3A_683, %jit3A_684 : i32
      %sign3A_686 = arith.constant 0 : i32
      %sign3A_687 = arith.cmpi sgt, %add3A_683, %sign3A_686 : i32
      %sign3A_688 = arith.extui %sign3A_687 : i1 to i32
      %sign3A_689 = arith.constant 0 : i32
      %sign3A_690 = arith.cmpi slt, %add3A_683, %sign3A_689 : i32
      %sign3A_691 = arith.extui %sign3A_690 : i1 to i32
      %sign3A_692 = arith.subi %sign3A_688, %sign3A_691 : i32
      %sign3A_693 = arith.constant 0 : i32
      %sign3A_694 = arith.cmpi sgt, %jit3A_684, %sign3A_693 : i32
      %sign3A_695 = arith.extui %sign3A_694 : i1 to i32
      %sign3A_696 = arith.constant 0 : i32
      %sign3A_697 = arith.cmpi slt, %jit3A_684, %sign3A_696 : i32
      %sign3A_698 = arith.extui %sign3A_697 : i1 to i32
      %sign3A_699 = arith.subi %sign3A_695, %sign3A_698 : i32
      %ne3A_700 = arith.cmpi ne, %sign3A_692, %sign3A_699 : i32
      %rem3A_701 = arith.remsi %add3A_683, %jit3A_684 : i32
      %ne3A_702 = arith.constant 0 : i32
      %ne3A_703 = arith.cmpi ne, %rem3A_701, %ne3A_702 : i32
      %and3A_704 = arith.andi %ne3A_700, %ne3A_703 : i1
      %sub3A_705 = arith.constant 1 : i32
      %sub3A_706 = arith.subi %div3A_685, %sub3A_705 : i32
      %select_n3A_707 = arith.select %and3A_704, %sub3A_706, %div3A_685 : i32
      %jit3A_708 = arith.constant 8 : i32
      %eq3A_709 = arith.constant 0 : i32
      %eq3A_710 = arith.cmpi eq, %jit3A_708, %eq3A_709 : i32
      %jit3A_711 = arith.constant 1 : i32
      %select_n3A_712 = arith.select %eq3A_710, %jit3A_711, %jit3A_708 : i32
      %rem3A_713 = arith.remsi %add3A_683, %select_n3A_712 : i32
      %ne3A_714 = arith.constant 0 : i32
      %ne3A_715 = arith.cmpi ne, %rem3A_713, %ne3A_714 : i32
      %lt3A_716 = arith.constant 0 : i32
      %lt3A_717 = arith.cmpi slt, %rem3A_713, %lt3A_716 : i32
      %lt3A_718 = arith.constant 0 : i32
      %lt3A_719 = arith.cmpi slt, %select_n3A_712, %lt3A_718 : i32
      %ne3A_720 = arith.xori %lt3A_717, %lt3A_719 : i1
      %and3A_721 = arith.andi %ne3A_720, %ne3A_715 : i1
      %add3A_722 = arith.addi %rem3A_713, %select_n3A_712 : i32
      %select_n3A_723 = arith.select %and3A_721, %add3A_722, %rem3A_713 : i32
      %mul3A_724 = arith.constant 1024 : i32
      %mul3A_725 = arith.muli %select_n3A_707, %mul3A_724 : i32
      %add3A_726 = arith.constant 256 : i32
      %add3A_727 = arith.addi %mul3A_725, %add3A_726 : i32
      %mul3A_728 = arith.constant 32 : i32
      %mul3A_729 = arith.muli %select_n3A_723, %mul3A_728 : i32
      %add3A_730 = arith.addi %add3A_727, %mul3A_729 : i32
      %multiple_of3A_731 = tpu.assume_multiple %add3A_730, 8 : i32
      %dma_start3A_732 = arith.constant 40 : i32
      %dma_start3A_733 = arith.constant 0 : i32
      %dma_start3A_734 = tpu.memref_slice %arg9[%dma_start3A_732, %dma_start3A_733] : memref<160x129xf32, #tpu.memory_space<vmem>> -> memref<32x128xf32, #tpu.memory_space<vmem>>
      %dma_start3A_735 = arith.constant 0 : i32
      %dma_start3A_736 = tpu.memref_slice %arg4[%multiple_of3A_731, %dma_start3A_735] : memref<204800x128xf32, #tpu.memory_space<hbm>> -> memref<32x128xf32, #tpu.memory_space<hbm>>
      %dma_start3A_737 = arith.constant 0 : i32
      %dma_start3A_738 = tpu.memref_slice %arg4[%multiple_of3A_731, %dma_start3A_737] : memref<204800x128xf32, #tpu.memory_space<hbm>> -> memref<32x128xf32, #tpu.memory_space<hbm>>
      %dma_start3A_739 = arith.constant 40 : i32
      %dma_start3A_740 = arith.constant 0 : i32
      %dma_start3A_741 = tpu.memref_slice %arg9[%dma_start3A_739, %dma_start3A_740] : memref<160x129xf32, #tpu.memory_space<vmem>> -> memref<32x128xf32, #tpu.memory_space<vmem>>
      tpu.enqueue_dma source(%dma_start3A_741 : memref<32x128xf32, #tpu.memory_space<vmem>>) target(%dma_start3A_738 : memref<32x128xf32, #tpu.memory_space<hbm>>) target_semaphore(%arg15 : memref<!tpu.dma_semaphore, #tpu.memory_space<semaphore_mem>>)
      %mul3A_742 = arith.constant 32 : i32
      %mul3A_743 = arith.muli %add3A_594, %mul3A_742 : i32
      %add3A_744 = arith.addi %add3A, %mul3A_743 : i32
      %jit3A_745 = arith.constant 8 : i32
      %div3A_746 = arith.divsi %add3A_744, %jit3A_745 : i32
      %sign3A_747 = arith.constant 0 : i32
      %sign3A_748 = arith.cmpi sgt, %add3A_744, %sign3A_747 : i32
      %sign3A_749 = arith.extui %sign3A_748 : i1 to i32
      %sign3A_750 = arith.constant 0 : i32
      %sign3A_751 = arith.cmpi slt, %add3A_744, %sign3A_750 : i32
      %sign3A_752 = arith.extui %sign3A_751 : i1 to i32
      %sign3A_753 = arith.subi %sign3A_749, %sign3A_752 : i32
      %sign3A_754 = arith.constant 0 : i32
      %sign3A_755 = arith.cmpi sgt, %jit3A_745, %sign3A_754 : i32
      %sign3A_756 = arith.extui %sign3A_755 : i1 to i32
      %sign3A_757 = arith.constant 0 : i32
      %sign3A_758 = arith.cmpi slt, %jit3A_745, %sign3A_757 : i32
      %sign3A_759 = arith.extui %sign3A_758 : i1 to i32
      %sign3A_760 = arith.subi %sign3A_756, %sign3A_759 : i32
      %ne3A_761 = arith.cmpi ne, %sign3A_753, %sign3A_760 : i32
      %rem3A_762 = arith.remsi %add3A_744, %jit3A_745 : i32
      %ne3A_763 = arith.constant 0 : i32
      %ne3A_764 = arith.cmpi ne, %rem3A_762, %ne3A_763 : i32
      %and3A_765 = arith.andi %ne3A_761, %ne3A_764 : i1
      %sub3A_766 = arith.constant 1 : i32
      %sub3A_767 = arith.subi %div3A_746, %sub3A_766 : i32
      %select_n3A_768 = arith.select %and3A_765, %sub3A_767, %div3A_746 : i32
      %jit3A_769 = arith.constant 8 : i32
      %eq3A_770 = arith.constant 0 : i32
      %eq3A_771 = arith.cmpi eq, %jit3A_769, %eq3A_770 : i32
      %jit3A_772 = arith.constant 1 : i32
      %select_n3A_773 = arith.select %eq3A_771, %jit3A_772, %jit3A_769 : i32
      %rem3A_774 = arith.remsi %add3A_744, %select_n3A_773 : i32
      %ne3A_775 = arith.constant 0 : i32
      %ne3A_776 = arith.cmpi ne, %rem3A_774, %ne3A_775 : i32
      %lt3A_777 = arith.constant 0 : i32
      %lt3A_778 = arith.cmpi slt, %rem3A_774, %lt3A_777 : i32
      %lt3A_779 = arith.constant 0 : i32
      %lt3A_780 = arith.cmpi slt, %select_n3A_773, %lt3A_779 : i32
      %ne3A_781 = arith.xori %lt3A_778, %lt3A_780 : i1
      %and3A_782 = arith.andi %ne3A_781, %ne3A_776 : i1
      %add3A_783 = arith.addi %rem3A_774, %select_n3A_773 : i32
      %select_n3A_784 = arith.select %and3A_782, %add3A_783, %rem3A_774 : i32
      %mul3A_785 = arith.constant 1024 : i32
      %mul3A_786 = arith.muli %select_n3A_768, %mul3A_785 : i32
      %add3A_787 = arith.constant 512 : i32
      %add3A_788 = arith.addi %mul3A_786, %add3A_787 : i32
      %mul3A_789 = arith.constant 32 : i32
      %mul3A_790 = arith.muli %select_n3A_784, %mul3A_789 : i32
      %add3A_791 = arith.addi %add3A_788, %mul3A_790 : i32
      %multiple_of3A_792 = tpu.assume_multiple %add3A_791, 8 : i32
      %dma_start3A_793 = arith.constant 80 : i32
      %dma_start3A_794 = arith.constant 0 : i32
      %dma_start3A_795 = tpu.memref_slice %arg9[%dma_start3A_793, %dma_start3A_794] : memref<160x129xf32, #tpu.memory_space<vmem>> -> memref<32x128xf32, #tpu.memory_space<vmem>>
      %dma_start3A_796 = arith.constant 0 : i32
      %dma_start3A_797 = tpu.memref_slice %arg4[%multiple_of3A_792, %dma_start3A_796] : memref<204800x128xf32, #tpu.memory_space<hbm>> -> memref<32x128xf32, #tpu.memory_space<hbm>>
      %dma_start3A_798 = arith.constant 0 : i32
      %dma_start3A_799 = tpu.memref_slice %arg4[%multiple_of3A_792, %dma_start3A_798] : memref<204800x128xf32, #tpu.memory_space<hbm>> -> memref<32x128xf32, #tpu.memory_space<hbm>>
      %dma_start3A_800 = arith.constant 80 : i32
      %dma_start3A_801 = arith.constant 0 : i32
      %dma_start3A_802 = tpu.memref_slice %arg9[%dma_start3A_800, %dma_start3A_801] : memref<160x129xf32, #tpu.memory_space<vmem>> -> memref<32x128xf32, #tpu.memory_space<vmem>>
      tpu.enqueue_dma source(%dma_start3A_802 : memref<32x128xf32, #tpu.memory_space<vmem>>) target(%dma_start3A_799 : memref<32x128xf32, #tpu.memory_space<hbm>>) target_semaphore(%arg15 : memref<!tpu.dma_semaphore, #tpu.memory_space<semaphore_mem>>)
      %mul3A_803 = arith.constant 32 : i32
      %mul3A_804 = arith.muli %add3A_594, %mul3A_803 : i32
      %add3A_805 = arith.addi %add3A, %mul3A_804 : i32
      %jit3A_806 = arith.constant 8 : i32
      %div3A_807 = arith.divsi %add3A_805, %jit3A_806 : i32
      %sign3A_808 = arith.constant 0 : i32
      %sign3A_809 = arith.cmpi sgt, %add3A_805, %sign3A_808 : i32
      %sign3A_810 = arith.extui %sign3A_809 : i1 to i32
      %sign3A_811 = arith.constant 0 : i32
      %sign3A_812 = arith.cmpi slt, %add3A_805, %sign3A_811 : i32
      %sign3A_813 = arith.extui %sign3A_812 : i1 to i32
      %sign3A_814 = arith.subi %sign3A_810, %sign3A_813 : i32
      %sign3A_815 = arith.constant 0 : i32
      %sign3A_816 = arith.cmpi sgt, %jit3A_806, %sign3A_815 : i32
      %sign3A_817 = arith.extui %sign3A_816 : i1 to i32
      %sign3A_818 = arith.constant 0 : i32
      %sign3A_819 = arith.cmpi slt, %jit3A_806, %sign3A_818 : i32
      %sign3A_820 = arith.extui %sign3A_819 : i1 to i32
      %sign3A_821 = arith.subi %sign3A_817, %sign3A_820 : i32
      %ne3A_822 = arith.cmpi ne, %sign3A_814, %sign3A_821 : i32
      %rem3A_823 = arith.remsi %add3A_805, %jit3A_806 : i32
      %ne3A_824 = arith.constant 0 : i32
      %ne3A_825 = arith.cmpi ne, %rem3A_823, %ne3A_824 : i32
      %and3A_826 = arith.andi %ne3A_822, %ne3A_825 : i1
      %sub3A_827 = arith.constant 1 : i32
      %sub3A_828 = arith.subi %div3A_807, %sub3A_827 : i32
      %select_n3A_829 = arith.select %and3A_826, %sub3A_828, %div3A_807 : i32
      %jit3A_830 = arith.constant 8 : i32
      %eq3A_831 = arith.constant 0 : i32
      %eq3A_832 = arith.cmpi eq, %jit3A_830, %eq3A_831 : i32
      %jit3A_833 = arith.constant 1 : i32
      %select_n3A_834 = arith.select %eq3A_832, %jit3A_833, %jit3A_830 : i32
      %rem3A_835 = arith.remsi %add3A_805, %select_n3A_834 : i32
      %ne3A_836 = arith.constant 0 : i32
      %ne3A_837 = arith.cmpi ne, %rem3A_835, %ne3A_836 : i32
      %lt3A_838 = arith.constant 0 : i32
      %lt3A_839 = arith.cmpi slt, %rem3A_835, %lt3A_838 : i32
      %lt3A_840 = arith.constant 0 : i32
      %lt3A_841 = arith.cmpi slt, %select_n3A_834, %lt3A_840 : i32
      %ne3A_842 = arith.xori %lt3A_839, %lt3A_841 : i1
      %and3A_843 = arith.andi %ne3A_842, %ne3A_837 : i1
      %add3A_844 = arith.addi %rem3A_835, %select_n3A_834 : i32
      %select_n3A_845 = arith.select %and3A_843, %add3A_844, %rem3A_835 : i32
      %mul3A_846 = arith.constant 1024 : i32
      %mul3A_847 = arith.muli %select_n3A_829, %mul3A_846 : i32
      %add3A_848 = arith.constant 768 : i32
      %add3A_849 = arith.addi %mul3A_847, %add3A_848 : i32
      %mul3A_850 = arith.constant 32 : i32
      %mul3A_851 = arith.muli %select_n3A_845, %mul3A_850 : i32
      %add3A_852 = arith.addi %add3A_849, %mul3A_851 : i32
      %multiple_of3A_853 = tpu.assume_multiple %add3A_852, 8 : i32
      %dma_start3A_854 = arith.constant 120 : i32
      %dma_start3A_855 = arith.constant 0 : i32
      %dma_start3A_856 = tpu.memref_slice %arg9[%dma_start3A_854, %dma_start3A_855] : memref<160x129xf32, #tpu.memory_space<vmem>> -> memref<32x128xf32, #tpu.memory_space<vmem>>
      %dma_start3A_857 = arith.constant 0 : i32
      %dma_start3A_858 = tpu.memref_slice %arg4[%multiple_of3A_853, %dma_start3A_857] : memref<204800x128xf32, #tpu.memory_space<hbm>> -> memref<32x128xf32, #tpu.memory_space<hbm>>
      %dma_start3A_859 = arith.constant 0 : i32
      %dma_start3A_860 = tpu.memref_slice %arg4[%multiple_of3A_853, %dma_start3A_859] : memref<204800x128xf32, #tpu.memory_space<hbm>> -> memref<32x128xf32, #tpu.memory_space<hbm>>
      %dma_start3A_861 = arith.constant 120 : i32
      %dma_start3A_862 = arith.constant 0 : i32
      %dma_start3A_863 = tpu.memref_slice %arg9[%dma_start3A_861, %dma_start3A_862] : memref<160x129xf32, #tpu.memory_space<vmem>> -> memref<32x128xf32, #tpu.memory_space<vmem>>
      tpu.enqueue_dma source(%dma_start3A_863 : memref<32x128xf32, #tpu.memory_space<vmem>>) target(%dma_start3A_860 : memref<32x128xf32, #tpu.memory_space<hbm>>) target_semaphore(%arg15 : memref<!tpu.dma_semaphore, #tpu.memory_space<semaphore_mem>>)
      %mul3A_864 = arith.constant 2 : i32
      %mul3A_865 = arith.muli %mul3A_864, %scan3A_590 : i32
      %add3A_866 = arith.constant 1 : i32
      %add3A_867 = arith.addi %mul3A_865, %add3A_866 : i32
      %dma_wait3A_868 = arith.constant 0 : i32
      %dma_wait3A_869 = arith.constant 0 : i32
      %dma_wait3A_870 = tpu.memref_slice %arg3[%dma_wait3A_868, %dma_wait3A_869] : memref<1000000x32xf32, #tpu.memory_space<hbm>> -> memref<1000000x32xf32, #tpu.memory_space<hbm>>
      tpu.wait_indirect_dma semaphore(%arg14 : memref<!tpu.dma_semaphore, #tpu.memory_space<semaphore_mem>>) src(%dma_wait3A_870 : memref<1000000x32xf32, #tpu.memory_space<hbm>>) dst(%arg8 : memref<512x32xf32, #tpu.memory_space<vmem>>)
      %add3A_871 = arith.constant 1 : i32
      %add3A_872 = arith.addi %add3A_867, %add3A_871 : i32
      %lt3A_873 = arith.constant 50 : i32
      %lt3A_874 = arith.cmpi slt, %add3A_872, %lt3A_873 : i32
      %convert_element_type3A_875 = arith.extui %lt3A_874 : i1 to i32
      %cond3A_876 = arith.constant 0 : i32
      %cond3A_877 = arith.cmpi ne, %convert_element_type3A_875, %cond3A_876 : i32
      scf.if %cond3A_877 {
        %add3A_1140 = arith.constant 1 : i32
        %add3A_1141 = arith.addi %add3A_867, %add3A_1140 : i32
        %mul3A_1142 = arith.constant 32 : i32
        %mul3A_1143 = arith.muli %add3A_1141, %mul3A_1142 : i32
        %add3A_1144 = arith.addi %add3A, %mul3A_1143 : i32
        %jit3A_1145 = arith.constant 8 : i32
        %div3A_1146 = arith.divsi %add3A_1144, %jit3A_1145 : i32
        %sign3A_1147 = arith.constant 0 : i32
        %sign3A_1148 = arith.cmpi sgt, %add3A_1144, %sign3A_1147 : i32
        %sign3A_1149 = arith.extui %sign3A_1148 : i1 to i32
        %sign3A_1150 = arith.constant 0 : i32
        %sign3A_1151 = arith.cmpi slt, %add3A_1144, %sign3A_1150 : i32
        %sign3A_1152 = arith.extui %sign3A_1151 : i1 to i32
        %sign3A_1153 = arith.subi %sign3A_1149, %sign3A_1152 : i32
        %sign3A_1154 = arith.constant 0 : i32
        %sign3A_1155 = arith.cmpi sgt, %jit3A_1145, %sign3A_1154 : i32
        %sign3A_1156 = arith.extui %sign3A_1155 : i1 to i32
        %sign3A_1157 = arith.constant 0 : i32
        %sign3A_1158 = arith.cmpi slt, %jit3A_1145, %sign3A_1157 : i32
        %sign3A_1159 = arith.extui %sign3A_1158 : i1 to i32
        %sign3A_1160 = arith.subi %sign3A_1156, %sign3A_1159 : i32
        %ne3A_1161 = arith.cmpi ne, %sign3A_1153, %sign3A_1160 : i32
        %rem3A_1162 = arith.remsi %add3A_1144, %jit3A_1145 : i32
        %ne3A_1163 = arith.constant 0 : i32
        %ne3A_1164 = arith.cmpi ne, %rem3A_1162, %ne3A_1163 : i32
        %and3A_1165 = arith.andi %ne3A_1161, %ne3A_1164 : i1
        %sub3A_1166 = arith.constant 1 : i32
        %sub3A_1167 = arith.subi %div3A_1146, %sub3A_1166 : i32
        %select_n3A_1168 = arith.select %and3A_1165, %sub3A_1167, %div3A_1146 : i32
        %jit3A_1169 = arith.constant 8 : i32
        %eq3A_1170 = arith.constant 0 : i32
        %eq3A_1171 = arith.cmpi eq, %jit3A_1169, %eq3A_1170 : i32
        %jit3A_1172 = arith.constant 1 : i32
        %select_n3A_1173 = arith.select %eq3A_1171, %jit3A_1172, %jit3A_1169 : i32
        %rem3A_1174 = arith.remsi %add3A_1144, %select_n3A_1173 : i32
        %ne3A_1175 = arith.constant 0 : i32
        %ne3A_1176 = arith.cmpi ne, %rem3A_1174, %ne3A_1175 : i32
        %lt3A_1177 = arith.constant 0 : i32
        %lt3A_1178 = arith.cmpi slt, %rem3A_1174, %lt3A_1177 : i32
        %lt3A_1179 = arith.constant 0 : i32
        %lt3A_1180 = arith.cmpi slt, %select_n3A_1173, %lt3A_1179 : i32
        %ne3A_1181 = arith.xori %lt3A_1178, %lt3A_1180 : i1
        %and3A_1182 = arith.andi %ne3A_1181, %ne3A_1176 : i1
        %add3A_1183 = arith.addi %rem3A_1174, %select_n3A_1173 : i32
        %select_n3A_1184 = arith.select %and3A_1182, %add3A_1183, %rem3A_1174 : i32
        %mul3A_1185 = arith.constant 4096 : i32
        %mul3A_1186 = arith.muli %select_n3A_1168, %mul3A_1185 : i32
        %mul3A_1187 = arith.constant 512 : i32
        %mul3A_1188 = arith.muli %select_n3A_1184, %mul3A_1187 : i32
        %add3A_1189 = arith.addi %mul3A_1186, %mul3A_1188 : i32
        %multiple_of3A_1190 = tpu.assume_multiple %add3A_1189, 8 : i32
        %dma_wait3A_1191 = tpu.memref_slice %arg2[%multiple_of3A_1190] : memref<819200xi32, #tpu.memory_space<hbm>> -> memref<512xi32, #tpu.memory_space<hbm>>
        %dma_wait3A_1192 = tpu.memref_slice %arg2[%multiple_of3A_1190] : memref<819200xi32, #tpu.memory_space<hbm>> -> memref<512xi32, #tpu.memory_space<hbm>>
        tpu.wait_dma2 semaphore(%arg11 : memref<!tpu.dma_semaphore, #tpu.memory_space<semaphore_mem>>) src(%dma_wait3A_1192 : memref<512xi32, #tpu.memory_space<hbm>>) dst(%arg5 : memref<512xi32, #tpu.memory_space<vmem>>)
        %dma_start3A_1193 = arith.constant 0 : i32
        %dma_start3A_1194 = arith.constant 0 : i32
        %dma_start3A_1195 = tpu.memref_slice %arg3[%dma_start3A_1193, %dma_start3A_1194] : memref<1000000x32xf32, #tpu.memory_space<hbm>> -> memref<1000000x32xf32, #tpu.memory_space<hbm>>
        tpu.enqueue_indirect_dma source(%dma_start3A_1195 : memref<1000000x32xf32, #tpu.memory_space<hbm>>) target(%arg7 : memref<512x32xf32, #tpu.memory_space<vmem>>) offsets(%arg5 : memref<512xi32, #tpu.memory_space<vmem>>) semaphore(%arg13 : memref<!tpu.dma_semaphore, #tpu.memory_space<semaphore_mem>>)
      } else {
      }
      %add3A_878 = arith.constant 2 : i32
      %add3A_879 = arith.addi %add3A_867, %add3A_878 : i32
      %lt3A_880 = arith.constant 50 : i32
      %lt3A_881 = arith.cmpi slt, %add3A_879, %lt3A_880 : i32
      %convert_element_type3A_882 = arith.extui %lt3A_881 : i1 to i32
      %cond3A_883 = arith.constant 0 : i32
      %cond3A_884 = arith.cmpi ne, %convert_element_type3A_882, %cond3A_883 : i32
      scf.if %cond3A_884 {
        %add3A_1140 = arith.constant 2 : i32
        %add3A_1141 = arith.addi %add3A_867, %add3A_1140 : i32
        %mul3A_1142 = arith.constant 32 : i32
        %mul3A_1143 = arith.muli %add3A_1141, %mul3A_1142 : i32
        %add3A_1144 = arith.addi %add3A, %mul3A_1143 : i32
        %jit3A_1145 = arith.constant 8 : i32
        %div3A_1146 = arith.divsi %add3A_1144, %jit3A_1145 : i32
        %sign3A_1147 = arith.constant 0 : i32
        %sign3A_1148 = arith.cmpi sgt, %add3A_1144, %sign3A_1147 : i32
        %sign3A_1149 = arith.extui %sign3A_1148 : i1 to i32
        %sign3A_1150 = arith.constant 0 : i32
        %sign3A_1151 = arith.cmpi slt, %add3A_1144, %sign3A_1150 : i32
        %sign3A_1152 = arith.extui %sign3A_1151 : i1 to i32
        %sign3A_1153 = arith.subi %sign3A_1149, %sign3A_1152 : i32
        %sign3A_1154 = arith.constant 0 : i32
        %sign3A_1155 = arith.cmpi sgt, %jit3A_1145, %sign3A_1154 : i32
        %sign3A_1156 = arith.extui %sign3A_1155 : i1 to i32
        %sign3A_1157 = arith.constant 0 : i32
        %sign3A_1158 = arith.cmpi slt, %jit3A_1145, %sign3A_1157 : i32
        %sign3A_1159 = arith.extui %sign3A_1158 : i1 to i32
        %sign3A_1160 = arith.subi %sign3A_1156, %sign3A_1159 : i32
        %ne3A_1161 = arith.cmpi ne, %sign3A_1153, %sign3A_1160 : i32
        %rem3A_1162 = arith.remsi %add3A_1144, %jit3A_1145 : i32
        %ne3A_1163 = arith.constant 0 : i32
        %ne3A_1164 = arith.cmpi ne, %rem3A_1162, %ne3A_1163 : i32
        %and3A_1165 = arith.andi %ne3A_1161, %ne3A_1164 : i1
        %sub3A_1166 = arith.constant 1 : i32
        %sub3A_1167 = arith.subi %div3A_1146, %sub3A_1166 : i32
        %select_n3A_1168 = arith.select %and3A_1165, %sub3A_1167, %div3A_1146 : i32
        %jit3A_1169 = arith.constant 8 : i32
        %eq3A_1170 = arith.constant 0 : i32
        %eq3A_1171 = arith.cmpi eq, %jit3A_1169, %eq3A_1170 : i32
        %jit3A_1172 = arith.constant 1 : i32
        %select_n3A_1173 = arith.select %eq3A_1171, %jit3A_1172, %jit3A_1169 : i32
        %rem3A_1174 = arith.remsi %add3A_1144, %select_n3A_1173 : i32
        %ne3A_1175 = arith.constant 0 : i32
        %ne3A_1176 = arith.cmpi ne, %rem3A_1174, %ne3A_1175 : i32
        %lt3A_1177 = arith.constant 0 : i32
        %lt3A_1178 = arith.cmpi slt, %rem3A_1174, %lt3A_1177 : i32
        %lt3A_1179 = arith.constant 0 : i32
        %lt3A_1180 = arith.cmpi slt, %select_n3A_1173, %lt3A_1179 : i32
        %ne3A_1181 = arith.xori %lt3A_1178, %lt3A_1180 : i1
        %and3A_1182 = arith.andi %ne3A_1181, %ne3A_1176 : i1
        %add3A_1183 = arith.addi %rem3A_1174, %select_n3A_1173 : i32
        %select_n3A_1184 = arith.select %and3A_1182, %add3A_1183, %rem3A_1174 : i32
        %mul3A_1185 = arith.constant 4096 : i32
        %mul3A_1186 = arith.muli %select_n3A_1168, %mul3A_1185 : i32
        %mul3A_1187 = arith.constant 512 : i32
        %mul3A_1188 = arith.muli %select_n3A_1184, %mul3A_1187 : i32
        %add3A_1189 = arith.addi %mul3A_1186, %mul3A_1188 : i32
        %multiple_of3A_1190 = tpu.assume_multiple %add3A_1189, 8 : i32
        %dma_start3A_1191 = tpu.memref_slice %arg2[%multiple_of3A_1190] : memref<819200xi32, #tpu.memory_space<hbm>> -> memref<512xi32, #tpu.memory_space<hbm>>
        %dma_start3A_1192 = tpu.memref_slice %arg2[%multiple_of3A_1190] : memref<819200xi32, #tpu.memory_space<hbm>> -> memref<512xi32, #tpu.memory_space<hbm>>
        tpu.enqueue_dma source(%dma_start3A_1192 : memref<512xi32, #tpu.memory_space<hbm>>) target(%arg6 : memref<512xi32, #tpu.memory_space<vmem>>) target_semaphore(%arg12 : memref<!tpu.dma_semaphore, #tpu.memory_space<semaphore_mem>>)
      } else {
      }
      %ge3A_885 = arith.constant 2 : i32
      %ge3A_886 = arith.cmpi sge, %add3A_867, %ge3A_885 : i32
      %convert_element_type3A_887 = arith.extui %ge3A_886 : i1 to i32
      %cond3A_888 = arith.constant 0 : i32
      %cond3A_889 = arith.cmpi ne, %convert_element_type3A_887, %cond3A_888 : i32
      scf.if %cond3A_889 {
        %sub3A_1140 = arith.constant 2 : i32
        %sub3A_1141 = arith.subi %add3A_867, %sub3A_1140 : i32
        %mul3A_1142 = arith.constant 32 : i32
        %mul3A_1143 = arith.muli %sub3A_1141, %mul3A_1142 : i32
        %add3A_1144 = arith.addi %add3A, %mul3A_1143 : i32
        %jit3A_1145 = arith.constant 8 : i32
        %div3A_1146 = arith.divsi %add3A_1144, %jit3A_1145 : i32
        %sign3A_1147 = arith.constant 0 : i32
        %sign3A_1148 = arith.cmpi sgt, %add3A_1144, %sign3A_1147 : i32
        %sign3A_1149 = arith.extui %sign3A_1148 : i1 to i32
        %sign3A_1150 = arith.constant 0 : i32
        %sign3A_1151 = arith.cmpi slt, %add3A_1144, %sign3A_1150 : i32
        %sign3A_1152 = arith.extui %sign3A_1151 : i1 to i32
        %sign3A_1153 = arith.subi %sign3A_1149, %sign3A_1152 : i32
        %sign3A_1154 = arith.constant 0 : i32
        %sign3A_1155 = arith.cmpi sgt, %jit3A_1145, %sign3A_1154 : i32
        %sign3A_1156 = arith.extui %sign3A_1155 : i1 to i32
        %sign3A_1157 = arith.constant 0 : i32
        %sign3A_1158 = arith.cmpi slt, %jit3A_1145, %sign3A_1157 : i32
        %sign3A_1159 = arith.extui %sign3A_1158 : i1 to i32
        %sign3A_1160 = arith.subi %sign3A_1156, %sign3A_1159 : i32
        %ne3A_1161 = arith.cmpi ne, %sign3A_1153, %sign3A_1160 : i32
        %rem3A_1162 = arith.remsi %add3A_1144, %jit3A_1145 : i32
        %ne3A_1163 = arith.constant 0 : i32
        %ne3A_1164 = arith.cmpi ne, %rem3A_1162, %ne3A_1163 : i32
        %and3A_1165 = arith.andi %ne3A_1161, %ne3A_1164 : i1
        %sub3A_1166 = arith.constant 1 : i32
        %sub3A_1167 = arith.subi %div3A_1146, %sub3A_1166 : i32
        %select_n3A_1168 = arith.select %and3A_1165, %sub3A_1167, %div3A_1146 : i32
        %jit3A_1169 = arith.constant 8 : i32
        %eq3A_1170 = arith.constant 0 : i32
        %eq3A_1171 = arith.cmpi eq, %jit3A_1169, %eq3A_1170 : i32
        %jit3A_1172 = arith.constant 1 : i32
        %select_n3A_1173 = arith.select %eq3A_1171, %jit3A_1172, %jit3A_1169 : i32
        %rem3A_1174 = arith.remsi %add3A_1144, %select_n3A_1173 : i32
        %ne3A_1175 = arith.constant 0 : i32
        %ne3A_1176 = arith.cmpi ne, %rem3A_1174, %ne3A_1175 : i32
        %lt3A_1177 = arith.constant 0 : i32
        %lt3A_1178 = arith.cmpi slt, %rem3A_1174, %lt3A_1177 : i32
        %lt3A_1179 = arith.constant 0 : i32
        %lt3A_1180 = arith.cmpi slt, %select_n3A_1173, %lt3A_1179 : i32
        %ne3A_1181 = arith.xori %lt3A_1178, %lt3A_1180 : i1
        %and3A_1182 = arith.andi %ne3A_1181, %ne3A_1176 : i1
        %add3A_1183 = arith.addi %rem3A_1174, %select_n3A_1173 : i32
        %select_n3A_1184 = arith.select %and3A_1182, %add3A_1183, %rem3A_1174 : i32
        %mul3A_1185 = arith.constant 1024 : i32
        %mul3A_1186 = arith.muli %select_n3A_1168, %mul3A_1185 : i32
        %add3A_1187 = arith.constant 0 : i32
        %add3A_1188 = arith.addi %mul3A_1186, %add3A_1187 : i32
        %mul3A_1189 = arith.constant 32 : i32
        %mul3A_1190 = arith.muli %select_n3A_1184, %mul3A_1189 : i32
        %add3A_1191 = arith.addi %add3A_1188, %mul3A_1190 : i32
        %multiple_of3A_1192 = tpu.assume_multiple %add3A_1191, 8 : i32
        %dma_wait3A_1193 = arith.constant 0 : i32
        %dma_wait3A_1194 = arith.constant 0 : i32
        %dma_wait3A_1195 = tpu.memref_slice %arg10[%dma_wait3A_1193, %dma_wait3A_1194] : memref<160x129xf32, #tpu.memory_space<vmem>> -> memref<32x128xf32, #tpu.memory_space<vmem>>
        %dma_wait3A_1196 = arith.constant 0 : i32
        %dma_wait3A_1197 = tpu.memref_slice %arg4[%multiple_of3A_1192, %dma_wait3A_1196] : memref<204800x128xf32, #tpu.memory_space<hbm>> -> memref<32x128xf32, #tpu.memory_space<hbm>>
        %dma_wait3A_1198 = arith.constant 0 : i32
        %dma_wait3A_1199 = tpu.memref_slice %arg4[%multiple_of3A_1192, %dma_wait3A_1198] : memref<204800x128xf32, #tpu.memory_space<hbm>> -> memref<32x128xf32, #tpu.memory_space<hbm>>
        %dma_wait3A_1200 = arith.constant 0 : i32
        %dma_wait3A_1201 = arith.constant 0 : i32
        %dma_wait3A_1202 = tpu.memref_slice %arg10[%dma_wait3A_1200, %dma_wait3A_1201] : memref<160x129xf32, #tpu.memory_space<vmem>> -> memref<32x128xf32, #tpu.memory_space<vmem>>
        tpu.wait_dma2 semaphore(%arg16 : memref<!tpu.dma_semaphore, #tpu.memory_space<semaphore_mem>>) src(%dma_wait3A_1202 : memref<32x128xf32, #tpu.memory_space<vmem>>) dst(%dma_wait3A_1199 : memref<32x128xf32, #tpu.memory_space<hbm>>)
        %sub3A_1203 = arith.constant 2 : i32
        %sub3A_1204 = arith.subi %add3A_867, %sub3A_1203 : i32
        %mul3A_1205 = arith.constant 32 : i32
        %mul3A_1206 = arith.muli %sub3A_1204, %mul3A_1205 : i32
        %add3A_1207 = arith.addi %add3A, %mul3A_1206 : i32
        %jit3A_1208 = arith.constant 8 : i32
        %div3A_1209 = arith.divsi %add3A_1207, %jit3A_1208 : i32
        %sign3A_1210 = arith.constant 0 : i32
        %sign3A_1211 = arith.cmpi sgt, %add3A_1207, %sign3A_1210 : i32
        %sign3A_1212 = arith.extui %sign3A_1211 : i1 to i32
        %sign3A_1213 = arith.constant 0 : i32
        %sign3A_1214 = arith.cmpi slt, %add3A_1207, %sign3A_1213 : i32
        %sign3A_1215 = arith.extui %sign3A_1214 : i1 to i32
        %sign3A_1216 = arith.subi %sign3A_1212, %sign3A_1215 : i32
        %sign3A_1217 = arith.constant 0 : i32
        %sign3A_1218 = arith.cmpi sgt, %jit3A_1208, %sign3A_1217 : i32
        %sign3A_1219 = arith.extui %sign3A_1218 : i1 to i32
        %sign3A_1220 = arith.constant 0 : i32
        %sign3A_1221 = arith.cmpi slt, %jit3A_1208, %sign3A_1220 : i32
        %sign3A_1222 = arith.extui %sign3A_1221 : i1 to i32
        %sign3A_1223 = arith.subi %sign3A_1219, %sign3A_1222 : i32
        %ne3A_1224 = arith.cmpi ne, %sign3A_1216, %sign3A_1223 : i32
        %rem3A_1225 = arith.remsi %add3A_1207, %jit3A_1208 : i32
        %ne3A_1226 = arith.constant 0 : i32
        %ne3A_1227 = arith.cmpi ne, %rem3A_1225, %ne3A_1226 : i32
        %and3A_1228 = arith.andi %ne3A_1224, %ne3A_1227 : i1
        %sub3A_1229 = arith.constant 1 : i32
        %sub3A_1230 = arith.subi %div3A_1209, %sub3A_1229 : i32
        %select_n3A_1231 = arith.select %and3A_1228, %sub3A_1230, %div3A_1209 : i32
        %jit3A_1232 = arith.constant 8 : i32
        %eq3A_1233 = arith.constant 0 : i32
        %eq3A_1234 = arith.cmpi eq, %jit3A_1232, %eq3A_1233 : i32
        %jit3A_1235 = arith.constant 1 : i32
        %select_n3A_1236 = arith.select %eq3A_1234, %jit3A_1235, %jit3A_1232 : i32
        %rem3A_1237 = arith.remsi %add3A_1207, %select_n3A_1236 : i32
        %ne3A_1238 = arith.constant 0 : i32
        %ne3A_1239 = arith.cmpi ne, %rem3A_1237, %ne3A_1238 : i32
        %lt3A_1240 = arith.constant 0 : i32
        %lt3A_1241 = arith.cmpi slt, %rem3A_1237, %lt3A_1240 : i32
        %lt3A_1242 = arith.constant 0 : i32
        %lt3A_1243 = arith.cmpi slt, %select_n3A_1236, %lt3A_1242 : i32
        %ne3A_1244 = arith.xori %lt3A_1241, %lt3A_1243 : i1
        %and3A_1245 = arith.andi %ne3A_1244, %ne3A_1239 : i1
        %add3A_1246 = arith.addi %rem3A_1237, %select_n3A_1236 : i32
        %select_n3A_1247 = arith.select %and3A_1245, %add3A_1246, %rem3A_1237 : i32
        %mul3A_1248 = arith.constant 1024 : i32
        %mul3A_1249 = arith.muli %select_n3A_1231, %mul3A_1248 : i32
        %add3A_1250 = arith.constant 256 : i32
        %add3A_1251 = arith.addi %mul3A_1249, %add3A_1250 : i32
        %mul3A_1252 = arith.constant 32 : i32
        %mul3A_1253 = arith.muli %select_n3A_1247, %mul3A_1252 : i32
        %add3A_1254 = arith.addi %add3A_1251, %mul3A_1253 : i32
        %multiple_of3A_1255 = tpu.assume_multiple %add3A_1254, 8 : i32
        %dma_wait3A_1256 = arith.constant 40 : i32
        %dma_wait3A_1257 = arith.constant 0 : i32
        %dma_wait3A_1258 = tpu.memref_slice %arg10[%dma_wait3A_1256, %dma_wait3A_1257] : memref<160x129xf32, #tpu.memory_space<vmem>> -> memref<32x128xf32, #tpu.memory_space<vmem>>
        %dma_wait3A_1259 = arith.constant 0 : i32
        %dma_wait3A_1260 = tpu.memref_slice %arg4[%multiple_of3A_1255, %dma_wait3A_1259] : memref<204800x128xf32, #tpu.memory_space<hbm>> -> memref<32x128xf32, #tpu.memory_space<hbm>>
        %dma_wait3A_1261 = arith.constant 0 : i32
        %dma_wait3A_1262 = tpu.memref_slice %arg4[%multiple_of3A_1255, %dma_wait3A_1261] : memref<204800x128xf32, #tpu.memory_space<hbm>> -> memref<32x128xf32, #tpu.memory_space<hbm>>
        %dma_wait3A_1263 = arith.constant 40 : i32
        %dma_wait3A_1264 = arith.constant 0 : i32
        %dma_wait3A_1265 = tpu.memref_slice %arg10[%dma_wait3A_1263, %dma_wait3A_1264] : memref<160x129xf32, #tpu.memory_space<vmem>> -> memref<32x128xf32, #tpu.memory_space<vmem>>
        tpu.wait_dma2 semaphore(%arg16 : memref<!tpu.dma_semaphore, #tpu.memory_space<semaphore_mem>>) src(%dma_wait3A_1265 : memref<32x128xf32, #tpu.memory_space<vmem>>) dst(%dma_wait3A_1262 : memref<32x128xf32, #tpu.memory_space<hbm>>)
        %sub3A_1266 = arith.constant 2 : i32
        %sub3A_1267 = arith.subi %add3A_867, %sub3A_1266 : i32
        %mul3A_1268 = arith.constant 32 : i32
        %mul3A_1269 = arith.muli %sub3A_1267, %mul3A_1268 : i32
        %add3A_1270 = arith.addi %add3A, %mul3A_1269 : i32
        %jit3A_1271 = arith.constant 8 : i32
        %div3A_1272 = arith.divsi %add3A_1270, %jit3A_1271 : i32
        %sign3A_1273 = arith.constant 0 : i32
        %sign3A_1274 = arith.cmpi sgt, %add3A_1270, %sign3A_1273 : i32
        %sign3A_1275 = arith.extui %sign3A_1274 : i1 to i32
        %sign3A_1276 = arith.constant 0 : i32
        %sign3A_1277 = arith.cmpi slt, %add3A_1270, %sign3A_1276 : i32
        %sign3A_1278 = arith.extui %sign3A_1277 : i1 to i32
        %sign3A_1279 = arith.subi %sign3A_1275, %sign3A_1278 : i32
        %sign3A_1280 = arith.constant 0 : i32
        %sign3A_1281 = arith.cmpi sgt, %jit3A_1271, %sign3A_1280 : i32
        %sign3A_1282 = arith.extui %sign3A_1281 : i1 to i32
        %sign3A_1283 = arith.constant 0 : i32
        %sign3A_1284 = arith.cmpi slt, %jit3A_1271, %sign3A_1283 : i32
        %sign3A_1285 = arith.extui %sign3A_1284 : i1 to i32
        %sign3A_1286 = arith.subi %sign3A_1282, %sign3A_1285 : i32
        %ne3A_1287 = arith.cmpi ne, %sign3A_1279, %sign3A_1286 : i32
        %rem3A_1288 = arith.remsi %add3A_1270, %jit3A_1271 : i32
        %ne3A_1289 = arith.constant 0 : i32
        %ne3A_1290 = arith.cmpi ne, %rem3A_1288, %ne3A_1289 : i32
        %and3A_1291 = arith.andi %ne3A_1287, %ne3A_1290 : i1
        %sub3A_1292 = arith.constant 1 : i32
        %sub3A_1293 = arith.subi %div3A_1272, %sub3A_1292 : i32
        %select_n3A_1294 = arith.select %and3A_1291, %sub3A_1293, %div3A_1272 : i32
        %jit3A_1295 = arith.constant 8 : i32
        %eq3A_1296 = arith.constant 0 : i32
        %eq3A_1297 = arith.cmpi eq, %jit3A_1295, %eq3A_1296 : i32
        %jit3A_1298 = arith.constant 1 : i32
        %select_n3A_1299 = arith.select %eq3A_1297, %jit3A_1298, %jit3A_1295 : i32
        %rem3A_1300 = arith.remsi %add3A_1270, %select_n3A_1299 : i32
        %ne3A_1301 = arith.constant 0 : i32
        %ne3A_1302 = arith.cmpi ne, %rem3A_1300, %ne3A_1301 : i32
        %lt3A_1303 = arith.constant 0 : i32
        %lt3A_1304 = arith.cmpi slt, %rem3A_1300, %lt3A_1303 : i32
        %lt3A_1305 = arith.constant 0 : i32
        %lt3A_1306 = arith.cmpi slt, %select_n3A_1299, %lt3A_1305 : i32
        %ne3A_1307 = arith.xori %lt3A_1304, %lt3A_1306 : i1
        %and3A_1308 = arith.andi %ne3A_1307, %ne3A_1302 : i1
        %add3A_1309 = arith.addi %rem3A_1300, %select_n3A_1299 : i32
        %select_n3A_1310 = arith.select %and3A_1308, %add3A_1309, %rem3A_1300 : i32
        %mul3A_1311 = arith.constant 1024 : i32
        %mul3A_1312 = arith.muli %select_n3A_1294, %mul3A_1311 : i32
        %add3A_1313 = arith.constant 512 : i32
        %add3A_1314 = arith.addi %mul3A_1312, %add3A_1313 : i32
        %mul3A_1315 = arith.constant 32 : i32
        %mul3A_1316 = arith.muli %select_n3A_1310, %mul3A_1315 : i32
        %add3A_1317 = arith.addi %add3A_1314, %mul3A_1316 : i32
        %multiple_of3A_1318 = tpu.assume_multiple %add3A_1317, 8 : i32
        %dma_wait3A_1319 = arith.constant 80 : i32
        %dma_wait3A_1320 = arith.constant 0 : i32
        %dma_wait3A_1321 = tpu.memref_slice %arg10[%dma_wait3A_1319, %dma_wait3A_1320] : memref<160x129xf32, #tpu.memory_space<vmem>> -> memref<32x128xf32, #tpu.memory_space<vmem>>
        %dma_wait3A_1322 = arith.constant 0 : i32
        %dma_wait3A_1323 = tpu.memref_slice %arg4[%multiple_of3A_1318, %dma_wait3A_1322] : memref<204800x128xf32, #tpu.memory_space<hbm>> -> memref<32x128xf32, #tpu.memory_space<hbm>>
        %dma_wait3A_1324 = arith.constant 0 : i32
        %dma_wait3A_1325 = tpu.memref_slice %arg4[%multiple_of3A_1318, %dma_wait3A_1324] : memref<204800x128xf32, #tpu.memory_space<hbm>> -> memref<32x128xf32, #tpu.memory_space<hbm>>
        %dma_wait3A_1326 = arith.constant 80 : i32
        %dma_wait3A_1327 = arith.constant 0 : i32
        %dma_wait3A_1328 = tpu.memref_slice %arg10[%dma_wait3A_1326, %dma_wait3A_1327] : memref<160x129xf32, #tpu.memory_space<vmem>> -> memref<32x128xf32, #tpu.memory_space<vmem>>
        tpu.wait_dma2 semaphore(%arg16 : memref<!tpu.dma_semaphore, #tpu.memory_space<semaphore_mem>>) src(%dma_wait3A_1328 : memref<32x128xf32, #tpu.memory_space<vmem>>) dst(%dma_wait3A_1325 : memref<32x128xf32, #tpu.memory_space<hbm>>)
        %sub3A_1329 = arith.constant 2 : i32
        %sub3A_1330 = arith.subi %add3A_867, %sub3A_1329 : i32
        %mul3A_1331 = arith.constant 32 : i32
        %mul3A_1332 = arith.muli %sub3A_1330, %mul3A_1331 : i32
        %add3A_1333 = arith.addi %add3A, %mul3A_1332 : i32
        %jit3A_1334 = arith.constant 8 : i32
        %div3A_1335 = arith.divsi %add3A_1333, %jit3A_1334 : i32
        %sign3A_1336 = arith.constant 0 : i32
        %sign3A_1337 = arith.cmpi sgt, %add3A_1333, %sign3A_1336 : i32
        %sign3A_1338 = arith.extui %sign3A_1337 : i1 to i32
        %sign3A_1339 = arith.constant 0 : i32
        %sign3A_1340 = arith.cmpi slt, %add3A_1333, %sign3A_1339 : i32
        %sign3A_1341 = arith.extui %sign3A_1340 : i1 to i32
        %sign3A_1342 = arith.subi %sign3A_1338, %sign3A_1341 : i32
        %sign3A_1343 = arith.constant 0 : i32
        %sign3A_1344 = arith.cmpi sgt, %jit3A_1334, %sign3A_1343 : i32
        %sign3A_1345 = arith.extui %sign3A_1344 : i1 to i32
        %sign3A_1346 = arith.constant 0 : i32
        %sign3A_1347 = arith.cmpi slt, %jit3A_1334, %sign3A_1346 : i32
        %sign3A_1348 = arith.extui %sign3A_1347 : i1 to i32
        %sign3A_1349 = arith.subi %sign3A_1345, %sign3A_1348 : i32
        %ne3A_1350 = arith.cmpi ne, %sign3A_1342, %sign3A_1349 : i32
        %rem3A_1351 = arith.remsi %add3A_1333, %jit3A_1334 : i32
        %ne3A_1352 = arith.constant 0 : i32
        %ne3A_1353 = arith.cmpi ne, %rem3A_1351, %ne3A_1352 : i32
        %and3A_1354 = arith.andi %ne3A_1350, %ne3A_1353 : i1
        %sub3A_1355 = arith.constant 1 : i32
        %sub3A_1356 = arith.subi %div3A_1335, %sub3A_1355 : i32
        %select_n3A_1357 = arith.select %and3A_1354, %sub3A_1356, %div3A_1335 : i32
        %jit3A_1358 = arith.constant 8 : i32
        %eq3A_1359 = arith.constant 0 : i32
        %eq3A_1360 = arith.cmpi eq, %jit3A_1358, %eq3A_1359 : i32
        %jit3A_1361 = arith.constant 1 : i32
        %select_n3A_1362 = arith.select %eq3A_1360, %jit3A_1361, %jit3A_1358 : i32
        %rem3A_1363 = arith.remsi %add3A_1333, %select_n3A_1362 : i32
        %ne3A_1364 = arith.constant 0 : i32
        %ne3A_1365 = arith.cmpi ne, %rem3A_1363, %ne3A_1364 : i32
        %lt3A_1366 = arith.constant 0 : i32
        %lt3A_1367 = arith.cmpi slt, %rem3A_1363, %lt3A_1366 : i32
        %lt3A_1368 = arith.constant 0 : i32
        %lt3A_1369 = arith.cmpi slt, %select_n3A_1362, %lt3A_1368 : i32
        %ne3A_1370 = arith.xori %lt3A_1367, %lt3A_1369 : i1
        %and3A_1371 = arith.andi %ne3A_1370, %ne3A_1365 : i1
        %add3A_1372 = arith.addi %rem3A_1363, %select_n3A_1362 : i32
        %select_n3A_1373 = arith.select %and3A_1371, %add3A_1372, %rem3A_1363 : i32
        %mul3A_1374 = arith.constant 1024 : i32
        %mul3A_1375 = arith.muli %select_n3A_1357, %mul3A_1374 : i32
        %add3A_1376 = arith.constant 768 : i32
        %add3A_1377 = arith.addi %mul3A_1375, %add3A_1376 : i32
        %mul3A_1378 = arith.constant 32 : i32
        %mul3A_1379 = arith.muli %select_n3A_1373, %mul3A_1378 : i32
        %add3A_1380 = arith.addi %add3A_1377, %mul3A_1379 : i32
        %multiple_of3A_1381 = tpu.assume_multiple %add3A_1380, 8 : i32
        %dma_wait3A_1382 = arith.constant 120 : i32
        %dma_wait3A_1383 = arith.constant 0 : i32
        %dma_wait3A_1384 = tpu.memref_slice %arg10[%dma_wait3A_1382, %dma_wait3A_1383] : memref<160x129xf32, #tpu.memory_space<vmem>> -> memref<32x128xf32, #tpu.memory_space<vmem>>
        %dma_wait3A_1385 = arith.constant 0 : i32
        %dma_wait3A_1386 = tpu.memref_slice %arg4[%multiple_of3A_1381, %dma_wait3A_1385] : memref<204800x128xf32, #tpu.memory_space<hbm>> -> memref<32x128xf32, #tpu.memory_space<hbm>>
        %dma_wait3A_1387 = arith.constant 0 : i32
        %dma_wait3A_1388 = tpu.memref_slice %arg4[%multiple_of3A_1381, %dma_wait3A_1387] : memref<204800x128xf32, #tpu.memory_space<hbm>> -> memref<32x128xf32, #tpu.memory_space<hbm>>
        %dma_wait3A_1389 = arith.constant 120 : i32
        %dma_wait3A_1390 = arith.constant 0 : i32
        %dma_wait3A_1391 = tpu.memref_slice %arg10[%dma_wait3A_1389, %dma_wait3A_1390] : memref<160x129xf32, #tpu.memory_space<vmem>> -> memref<32x128xf32, #tpu.memory_space<vmem>>
        tpu.wait_dma2 semaphore(%arg16 : memref<!tpu.dma_semaphore, #tpu.memory_space<semaphore_mem>>) src(%dma_wait3A_1391 : memref<32x128xf32, #tpu.memory_space<vmem>>) dst(%dma_wait3A_1388 : memref<32x128xf32, #tpu.memory_space<hbm>>)
      } else {
      }
      %scan3A_890 = arith.constant 0 : i32
      %scan3A_891 = arith.constant 0 : i32
      %scan3A_892 = arith.constant 64 : i32
      %scan3A_893 = arith.addi %scan3A_891, %scan3A_892 : i32
      %scan3A_894 = arith.constant 1 : i32
      scf.for %scan3A_1140 = %scan3A_891 to %scan3A_893 step %scan3A_894  : i32 {
        %mul3A_1141 = arith.constant 8 : i32
        %mul3A_1142 = arith.muli %scan3A_1140, %mul3A_1141 : i32
        %shift_right_arithmetic3A_1143 = arith.constant 7 : i32
        %shift_right_arithmetic3A_1144 = arith.shrsi %mul3A_1142, %shift_right_arithmetic3A_1143 : i32
        %mul3A_1145 = arith.constant 8 : i32
        %mul3A_1146 = arith.muli %shift_right_arithmetic3A_1144, %mul3A_1145 : i32
        %broadcast_in_dim3A = vector.broadcast %mul3A_1146 : i32 to vector<16xi32>
        %add3A_1147 = arith.addi %add3A_8, %broadcast_in_dim3A : vector<16xi32>
        %add3A_1148 = arith.addi %add3A_11, %broadcast_in_dim3A : vector<16xi32>
        %and3A_1149 = arith.constant 127 : i32
        %and3A_1150 = arith.andi %mul3A_1142, %and3A_1149 : i32
        %add3A_1151 = arith.constant 0 : i32
        %add3A_1152 = arith.addi %mul3A_1142, %add3A_1151 : i32
        %get3A = arith.index_cast %add3A_1152 : i32 to index
        %get3A_1153 = arith.constant 0 : index
        %get3A_1154 = tpu.vector_load %arg8[%get3A, %get3A_1153] {strides = array<i32>} : memref<512x32xf32, #tpu.memory_space<vmem>>, vector<16xf32>,
        %get3A_1155 = arith.index_cast %add3A_1152 : i32 to index
        %get3A_1156 = arith.constant 16 : index
        %get3A_1157 = tpu.vector_load %arg8[%get3A_1155, %get3A_1156] {strides = array<i32>} : memref<512x32xf32, #tpu.memory_space<vmem>>, vector<16xf32>,
        %add3A_1158 = arith.constant 1 : i32
        %add3A_1159 = arith.addi %mul3A_1142, %add3A_1158 : i32
        %get3A_1160 = arith.index_cast %add3A_1159 : i32 to index
        %get3A_1161 = arith.constant 0 : index
        %get3A_1162 = tpu.vector_load %arg8[%get3A_1160, %get3A_1161] {strides = array<i32>} : memref<512x32xf32, #tpu.memory_space<vmem>>, vector<16xf32>,
        %get3A_1163 = arith.index_cast %add3A_1159 : i32 to index
        %get3A_1164 = arith.constant 16 : index
        %get3A_1165 = tpu.vector_load %arg8[%get3A_1163, %get3A_1164] {strides = array<i32>} : memref<512x32xf32, #tpu.memory_space<vmem>>, vector<16xf32>,
        %add3A_1166 = arith.constant 2 : i32
        %add3A_1167 = arith.addi %mul3A_1142, %add3A_1166 : i32
        %get3A_1168 = arith.index_cast %add3A_1167 : i32 to index
        %get3A_1169 = arith.constant 0 : index
        %get3A_1170 = tpu.vector_load %arg8[%get3A_1168, %get3A_1169] {strides = array<i32>} : memref<512x32xf32, #tpu.memory_space<vmem>>, vector<16xf32>,
        %get3A_1171 = arith.index_cast %add3A_1167 : i32 to index
        %get3A_1172 = arith.constant 16 : index
        %get3A_1173 = tpu.vector_load %arg8[%get3A_1171, %get3A_1172] {strides = array<i32>} : memref<512x32xf32, #tpu.memory_space<vmem>>, vector<16xf32>,
        %add3A_1174 = arith.constant 3 : i32
        %add3A_1175 = arith.addi %mul3A_1142, %add3A_1174 : i32
        %get3A_1176 = arith.index_cast %add3A_1175 : i32 to index
        %get3A_1177 = arith.constant 0 : index
        %get3A_1178 = tpu.vector_load %arg8[%get3A_1176, %get3A_1177] {strides = array<i32>} : memref<512x32xf32, #tpu.memory_space<vmem>>, vector<16xf32>,
        %get3A_1179 = arith.index_cast %add3A_1175 : i32 to index
        %get3A_1180 = arith.constant 16 : index
        %get3A_1181 = tpu.vector_load %arg8[%get3A_1179, %get3A_1180] {strides = array<i32>} : memref<512x32xf32, #tpu.memory_space<vmem>>, vector<16xf32>,
        %add3A_1182 = arith.constant 4 : i32
        %add3A_1183 = arith.addi %mul3A_1142, %add3A_1182 : i32
        %get3A_1184 = arith.index_cast %add3A_1183 : i32 to index
        %get3A_1185 = arith.constant 0 : index
        %get3A_1186 = tpu.vector_load %arg8[%get3A_1184, %get3A_1185] {strides = array<i32>} : memref<512x32xf32, #tpu.memory_space<vmem>>, vector<16xf32>,
        %get3A_1187 = arith.index_cast %add3A_1183 : i32 to index
        %get3A_1188 = arith.constant 16 : index
        %get3A_1189 = tpu.vector_load %arg8[%get3A_1187, %get3A_1188] {strides = array<i32>} : memref<512x32xf32, #tpu.memory_space<vmem>>, vector<16xf32>,
        %add3A_1190 = arith.constant 5 : i32
        %add3A_1191 = arith.addi %mul3A_1142, %add3A_1190 : i32
        %get3A_1192 = arith.index_cast %add3A_1191 : i32 to index
        %get3A_1193 = arith.constant 0 : index
        %get3A_1194 = tpu.vector_load %arg8[%get3A_1192, %get3A_1193] {strides = array<i32>} : memref<512x32xf32, #tpu.memory_space<vmem>>, vector<16xf32>,
        %get3A_1195 = arith.index_cast %add3A_1191 : i32 to index
        %get3A_1196 = arith.constant 16 : index
        %get3A_1197 = tpu.vector_load %arg8[%get3A_1195, %get3A_1196] {strides = array<i32>} : memref<512x32xf32, #tpu.memory_space<vmem>>, vector<16xf32>,
        %add3A_1198 = arith.constant 6 : i32
        %add3A_1199 = arith.addi %mul3A_1142, %add3A_1198 : i32
        %get3A_1200 = arith.index_cast %add3A_1199 : i32 to index
        %get3A_1201 = arith.constant 0 : index
        %get3A_1202 = tpu.vector_load %arg8[%get3A_1200, %get3A_1201] {strides = array<i32>} : memref<512x32xf32, #tpu.memory_space<vmem>>, vector<16xf32>,
        %get3A_1203 = arith.index_cast %add3A_1199 : i32 to index
        %get3A_1204 = arith.constant 16 : index
        %get3A_1205 = tpu.vector_load %arg8[%get3A_1203, %get3A_1204] {strides = array<i32>} : memref<512x32xf32, #tpu.memory_space<vmem>>, vector<16xf32>,
        %add3A_1206 = arith.constant 7 : i32
        %add3A_1207 = arith.addi %mul3A_1142, %add3A_1206 : i32
        %get3A_1208 = arith.index_cast %add3A_1207 : i32 to index
        %get3A_1209 = arith.constant 0 : index
        %get3A_1210 = tpu.vector_load %arg8[%get3A_1208, %get3A_1209] {strides = array<i32>} : memref<512x32xf32, #tpu.memory_space<vmem>>, vector<16xf32>,
        %get3A_1211 = arith.index_cast %add3A_1207 : i32 to index
        %get3A_1212 = arith.constant 16 : index
        %get3A_1213 = tpu.vector_load %arg8[%get3A_1211, %get3A_1212] {strides = array<i32>} : memref<512x32xf32, #tpu.memory_space<vmem>>, vector<16xf32>,
        %add3A_1214 = arith.constant 0 : i32
        %add3A_1215 = arith.addi %and3A_1150, %add3A_1214 : i32
        %broadcast_in_dim3A_1216 = vector.broadcast %add3A_1215 : i32 to vector<16xi32>
        tpu.vector_store_idx %arg10[%add3A_1147, %broadcast_in_dim3A_1216], %get3A_1154 : memref<160x129xf32, #tpu.memory_space<vmem>>[vector<16xi32>, vector<16xi32>], vector<16xf32>,
        tpu.vector_store_idx %arg10[%add3A_1148, %broadcast_in_dim3A_1216], %get3A_1157 : memref<160x129xf32, #tpu.memory_space<vmem>>[vector<16xi32>, vector<16xi32>], vector<16xf32>,
        %add3A_1217 = arith.constant 1 : i32
        %add3A_1218 = arith.addi %and3A_1150, %add3A_1217 : i32
        %broadcast_in_dim3A_1219 = vector.broadcast %add3A_1218 : i32 to vector<16xi32>
        tpu.vector_store_idx %arg10[%add3A_1147, %broadcast_in_dim3A_1219], %get3A_1162 : memref<160x129xf32, #tpu.memory_space<vmem>>[vector<16xi32>, vector<16xi32>], vector<16xf32>,
        tpu.vector_store_idx %arg10[%add3A_1148, %broadcast_in_dim3A_1219], %get3A_1165 : memref<160x129xf32, #tpu.memory_space<vmem>>[vector<16xi32>, vector<16xi32>], vector<16xf32>,
        %add3A_1220 = arith.constant 2 : i32
        %add3A_1221 = arith.addi %and3A_1150, %add3A_1220 : i32
        %broadcast_in_dim3A_1222 = vector.broadcast %add3A_1221 : i32 to vector<16xi32>
        tpu.vector_store_idx %arg10[%add3A_1147, %broadcast_in_dim3A_1222], %get3A_1170 : memref<160x129xf32, #tpu.memory_space<vmem>>[vector<16xi32>, vector<16xi32>], vector<16xf32>,
        tpu.vector_store_idx %arg10[%add3A_1148, %broadcast_in_dim3A_1222], %get3A_1173 : memref<160x129xf32, #tpu.memory_space<vmem>>[vector<16xi32>, vector<16xi32>], vector<16xf32>,
        %add3A_1223 = arith.constant 3 : i32
        %add3A_1224 = arith.addi %and3A_1150, %add3A_1223 : i32
        %broadcast_in_dim3A_1225 = vector.broadcast %add3A_1224 : i32 to vector<16xi32>
        tpu.vector_store_idx %arg10[%add3A_1147, %broadcast_in_dim3A_1225], %get3A_1178 : memref<160x129xf32, #tpu.memory_space<vmem>>[vector<16xi32>, vector<16xi32>], vector<16xf32>,
        tpu.vector_store_idx %arg10[%add3A_1148, %broadcast_in_dim3A_1225], %get3A_1181 : memref<160x129xf32, #tpu.memory_space<vmem>>[vector<16xi32>, vector<16xi32>], vector<16xf32>,
        %add3A_1226 = arith.constant 4 : i32
        %add3A_1227 = arith.addi %and3A_1150, %add3A_1226 : i32
        %broadcast_in_dim3A_1228 = vector.broadcast %add3A_1227 : i32 to vector<16xi32>
        tpu.vector_store_idx %arg10[%add3A_1147, %broadcast_in_dim3A_1228], %get3A_1186 : memref<160x129xf32, #tpu.memory_space<vmem>>[vector<16xi32>, vector<16xi32>], vector<16xf32>,
        tpu.vector_store_idx %arg10[%add3A_1148, %broadcast_in_dim3A_1228], %get3A_1189 : memref<160x129xf32, #tpu.memory_space<vmem>>[vector<16xi32>, vector<16xi32>], vector<16xf32>,
        %add3A_1229 = arith.constant 5 : i32
        %add3A_1230 = arith.addi %and3A_1150, %add3A_1229 : i32
        %broadcast_in_dim3A_1231 = vector.broadcast %add3A_1230 : i32 to vector<16xi32>
        tpu.vector_store_idx %arg10[%add3A_1147, %broadcast_in_dim3A_1231], %get3A_1194 : memref<160x129xf32, #tpu.memory_space<vmem>>[vector<16xi32>, vector<16xi32>], vector<16xf32>,
        tpu.vector_store_idx %arg10[%add3A_1148, %broadcast_in_dim3A_1231], %get3A_1197 : memref<160x129xf32, #tpu.memory_space<vmem>>[vector<16xi32>, vector<16xi32>], vector<16xf32>,
        %add3A_1232 = arith.constant 6 : i32
        %add3A_1233 = arith.addi %and3A_1150, %add3A_1232 : i32
        %broadcast_in_dim3A_1234 = vector.broadcast %add3A_1233 : i32 to vector<16xi32>
        tpu.vector_store_idx %arg10[%add3A_1147, %broadcast_in_dim3A_1234], %get3A_1202 : memref<160x129xf32, #tpu.memory_space<vmem>>[vector<16xi32>, vector<16xi32>], vector<16xf32>,
        tpu.vector_store_idx %arg10[%add3A_1148, %broadcast_in_dim3A_1234], %get3A_1205 : memref<160x129xf32, #tpu.memory_space<vmem>>[vector<16xi32>, vector<16xi32>], vector<16xf32>,
        %add3A_1235 = arith.constant 7 : i32
        %add3A_1236 = arith.addi %and3A_1150, %add3A_1235 : i32
        %broadcast_in_dim3A_1237 = vector.broadcast %add3A_1236 : i32 to vector<16xi32>
        tpu.vector_store_idx %arg10[%add3A_1147, %broadcast_in_dim3A_1237], %get3A_1210 : memref<160x129xf32, #tpu.memory_space<vmem>>[vector<16xi32>, vector<16xi32>], vector<16xf32>,
        tpu.vector_store_idx %arg10[%add3A_1148, %broadcast_in_dim3A_1237], %get3A_1213 : memref<160x129xf32, #tpu.memory_space<vmem>>[vector<16xi32>, vector<16xi32>], vector<16xf32>,
      }
      %scan3A_895 = arith.constant 64 : i32
      %mul3A_896 = arith.constant 32 : i32
      %mul3A_897 = arith.muli %add3A_867, %mul3A_896 : i32
      %add3A_898 = arith.addi %add3A, %mul3A_897 : i32
      %jit3A_899 = arith.constant 8 : i32
      %div3A_900 = arith.divsi %add3A_898, %jit3A_899 : i32
      %sign3A_901 = arith.constant 0 : i32
      %sign3A_902 = arith.cmpi sgt, %add3A_898, %sign3A_901 : i32
      %sign3A_903 = arith.extui %sign3A_902 : i1 to i32
      %sign3A_904 = arith.constant 0 : i32
      %sign3A_905 = arith.cmpi slt, %add3A_898, %sign3A_904 : i32
      %sign3A_906 = arith.extui %sign3A_905 : i1 to i32
      %sign3A_907 = arith.subi %sign3A_903, %sign3A_906 : i32
      %sign3A_908 = arith.constant 0 : i32
      %sign3A_909 = arith.cmpi sgt, %jit3A_899, %sign3A_908 : i32
      %sign3A_910 = arith.extui %sign3A_909 : i1 to i32
      %sign3A_911 = arith.constant 0 : i32
      %sign3A_912 = arith.cmpi slt, %jit3A_899, %sign3A_911 : i32
      %sign3A_913 = arith.extui %sign3A_912 : i1 to i32
      %sign3A_914 = arith.subi %sign3A_910, %sign3A_913 : i32
      %ne3A_915 = arith.cmpi ne, %sign3A_907, %sign3A_914 : i32
      %rem3A_916 = arith.remsi %add3A_898, %jit3A_899 : i32
      %ne3A_917 = arith.constant 0 : i32
      %ne3A_918 = arith.cmpi ne, %rem3A_916, %ne3A_917 : i32
      %and3A_919 = arith.andi %ne3A_915, %ne3A_918 : i1
      %sub3A_920 = arith.constant 1 : i32
      %sub3A_921 = arith.subi %div3A_900, %sub3A_920 : i32
      %select_n3A_922 = arith.select %and3A_919, %sub3A_921, %div3A_900 : i32
      %jit3A_923 = arith.constant 8 : i32
      %eq3A_924 = arith.constant 0 : i32
      %eq3A_925 = arith.cmpi eq, %jit3A_923, %eq3A_924 : i32
      %jit3A_926 = arith.constant 1 : i32
      %select_n3A_927 = arith.select %eq3A_925, %jit3A_926, %jit3A_923 : i32
      %rem3A_928 = arith.remsi %add3A_898, %select_n3A_927 : i32
      %ne3A_929 = arith.constant 0 : i32
      %ne3A_930 = arith.cmpi ne, %rem3A_928, %ne3A_929 : i32
      %lt3A_931 = arith.constant 0 : i32
      %lt3A_932 = arith.cmpi slt, %rem3A_928, %lt3A_931 : i32
      %lt3A_933 = arith.constant 0 : i32
      %lt3A_934 = arith.cmpi slt, %select_n3A_927, %lt3A_933 : i32
      %ne3A_935 = arith.xori %lt3A_932, %lt3A_934 : i1
      %and3A_936 = arith.andi %ne3A_935, %ne3A_930 : i1
      %add3A_937 = arith.addi %rem3A_928, %select_n3A_927 : i32
      %select_n3A_938 = arith.select %and3A_936, %add3A_937, %rem3A_928 : i32
      %mul3A_939 = arith.constant 1024 : i32
      %mul3A_940 = arith.muli %select_n3A_922, %mul3A_939 : i32
      %add3A_941 = arith.constant 0 : i32
      %add3A_942 = arith.addi %mul3A_940, %add3A_941 : i32
      %mul3A_943 = arith.constant 32 : i32
      %mul3A_944 = arith.muli %select_n3A_938, %mul3A_943 : i32
      %add3A_945 = arith.addi %add3A_942, %mul3A_944 : i32
      %multiple_of3A_946 = tpu.assume_multiple %add3A_945, 8 : i32
      %dma_start3A_947 = arith.constant 0 : i32
      %dma_start3A_948 = arith.constant 0 : i32
      %dma_start3A_949 = tpu.memref_slice %arg10[%dma_start3A_947, %dma_start3A_948] : memref<160x129xf32, #tpu.memory_space<vmem>> -> memref<32x128xf32, #tpu.memory_space<vmem>>
      %dma_start3A_950 = arith.constant 0 : i32
      %dma_start3A_951 = tpu.memref_slice %arg4[%multiple_of3A_946, %dma_start3A_950] : memref<204800x128xf32, #tpu.memory_space<hbm>> -> memref<32x128xf32, #tpu.memory_space<hbm>>
      %dma_start3A_952 = arith.constant 0 : i32
      %dma_start3A_953 = tpu.memref_slice %arg4[%multiple_of3A_946, %dma_start3A_952] : memref<204800x128xf32, #tpu.memory_space<hbm>> -> memref<32x128xf32, #tpu.memory_space<hbm>>
      %dma_start3A_954 = arith.constant 0 : i32
      %dma_start3A_955 = arith.constant 0 : i32
      %dma_start3A_956 = tpu.memref_slice %arg10[%dma_start3A_954, %dma_start3A_955] : memref<160x129xf32, #tpu.memory_space<vmem>> -> memref<32x128xf32, #tpu.memory_space<vmem>>
      tpu.enqueue_dma source(%dma_start3A_956 : memref<32x128xf32, #tpu.memory_space<vmem>>) target(%dma_start3A_953 : memref<32x128xf32, #tpu.memory_space<hbm>>) target_semaphore(%arg16 : memref<!tpu.dma_semaphore, #tpu.memory_space<semaphore_mem>>)
      %mul3A_957 = arith.constant 32 : i32
      %mul3A_958 = arith.muli %add3A_867, %mul3A_957 : i32
      %add3A_959 = arith.addi %add3A, %mul3A_958 : i32
      %jit3A_960 = arith.constant 8 : i32
      %div3A_961 = arith.divsi %add3A_959, %jit3A_960 : i32
      %sign3A_962 = arith.constant 0 : i32
      %sign3A_963 = arith.cmpi sgt, %add3A_959, %sign3A_962 : i32
      %sign3A_964 = arith.extui %sign3A_963 : i1 to i32
      %sign3A_965 = arith.constant 0 : i32
      %sign3A_966 = arith.cmpi slt, %add3A_959, %sign3A_965 : i32
      %sign3A_967 = arith.extui %sign3A_966 : i1 to i32
      %sign3A_968 = arith.subi %sign3A_964, %sign3A_967 : i32
      %sign3A_969 = arith.constant 0 : i32
      %sign3A_970 = arith.cmpi sgt, %jit3A_960, %sign3A_969 : i32
      %sign3A_971 = arith.extui %sign3A_970 : i1 to i32
      %sign3A_972 = arith.constant 0 : i32
      %sign3A_973 = arith.cmpi slt, %jit3A_960, %sign3A_972 : i32
      %sign3A_974 = arith.extui %sign3A_973 : i1 to i32
      %sign3A_975 = arith.subi %sign3A_971, %sign3A_974 : i32
      %ne3A_976 = arith.cmpi ne, %sign3A_968, %sign3A_975 : i32
      %rem3A_977 = arith.remsi %add3A_959, %jit3A_960 : i32
      %ne3A_978 = arith.constant 0 : i32
      %ne3A_979 = arith.cmpi ne, %rem3A_977, %ne3A_978 : i32
      %and3A_980 = arith.andi %ne3A_976, %ne3A_979 : i1
      %sub3A_981 = arith.constant 1 : i32
      %sub3A_982 = arith.subi %div3A_961, %sub3A_981 : i32
      %select_n3A_983 = arith.select %and3A_980, %sub3A_982, %div3A_961 : i32
      %jit3A_984 = arith.constant 8 : i32
      %eq3A_985 = arith.constant 0 : i32
      %eq3A_986 = arith.cmpi eq, %jit3A_984, %eq3A_985 : i32
      %jit3A_987 = arith.constant 1 : i32
      %select_n3A_988 = arith.select %eq3A_986, %jit3A_987, %jit3A_984 : i32
      %rem3A_989 = arith.remsi %add3A_959, %select_n3A_988 : i32
      %ne3A_990 = arith.constant 0 : i32
      %ne3A_991 = arith.cmpi ne, %rem3A_989, %ne3A_990 : i32
      %lt3A_992 = arith.constant 0 : i32
      %lt3A_993 = arith.cmpi slt, %rem3A_989, %lt3A_992 : i32
      %lt3A_994 = arith.constant 0 : i32
      %lt3A_995 = arith.cmpi slt, %select_n3A_988, %lt3A_994 : i32
      %ne3A_996 = arith.xori %lt3A_993, %lt3A_995 : i1
      %and3A_997 = arith.andi %ne3A_996, %ne3A_991 : i1
      %add3A_998 = arith.addi %rem3A_989, %select_n3A_988 : i32
      %select_n3A_999 = arith.select %and3A_997, %add3A_998, %rem3A_989 : i32
      %mul3A_1000 = arith.constant 1024 : i32
      %mul3A_1001 = arith.muli %select_n3A_983, %mul3A_1000 : i32
      %add3A_1002 = arith.constant 256 : i32
      %add3A_1003 = arith.addi %mul3A_1001, %add3A_1002 : i32
      %mul3A_1004 = arith.constant 32 : i32
      %mul3A_1005 = arith.muli %select_n3A_999, %mul3A_1004 : i32
      %add3A_1006 = arith.addi %add3A_1003, %mul3A_1005 : i32
      %multiple_of3A_1007 = tpu.assume_multiple %add3A_1006, 8 : i32
      %dma_start3A_1008 = arith.constant 40 : i32
      %dma_start3A_1009 = arith.constant 0 : i32
      %dma_start3A_1010 = tpu.memref_slice %arg10[%dma_start3A_1008, %dma_start3A_1009] : memref<160x129xf32, #tpu.memory_space<vmem>> -> memref<32x128xf32, #tpu.memory_space<vmem>>
      %dma_start3A_1011 = arith.constant 0 : i32
      %dma_start3A_1012 = tpu.memref_slice %arg4[%multiple_of3A_1007, %dma_start3A_1011] : memref<204800x128xf32, #tpu.memory_space<hbm>> -> memref<32x128xf32, #tpu.memory_space<hbm>>
      %dma_start3A_1013 = arith.constant 0 : i32
      %dma_start3A_1014 = tpu.memref_slice %arg4[%multiple_of3A_1007, %dma_start3A_1013] : memref<204800x128xf32, #tpu.memory_space<hbm>> -> memref<32x128xf32, #tpu.memory_space<hbm>>
      %dma_start3A_1015 = arith.constant 40 : i32
      %dma_start3A_1016 = arith.constant 0 : i32
      %dma_start3A_1017 = tpu.memref_slice %arg10[%dma_start3A_1015, %dma_start3A_1016] : memref<160x129xf32, #tpu.memory_space<vmem>> -> memref<32x128xf32, #tpu.memory_space<vmem>>
      tpu.enqueue_dma source(%dma_start3A_1017 : memref<32x128xf32, #tpu.memory_space<vmem>>) target(%dma_start3A_1014 : memref<32x128xf32, #tpu.memory_space<hbm>>) target_semaphore(%arg16 : memref<!tpu.dma_semaphore, #tpu.memory_space<semaphore_mem>>)
      %mul3A_1018 = arith.constant 32 : i32
      %mul3A_1019 = arith.muli %add3A_867, %mul3A_1018 : i32
      %add3A_1020 = arith.addi %add3A, %mul3A_1019 : i32
      %jit3A_1021 = arith.constant 8 : i32
      %div3A_1022 = arith.divsi %add3A_1020, %jit3A_1021 : i32
      %sign3A_1023 = arith.constant 0 : i32
      %sign3A_1024 = arith.cmpi sgt, %add3A_1020, %sign3A_1023 : i32
      %sign3A_1025 = arith.extui %sign3A_1024 : i1 to i32
      %sign3A_1026 = arith.constant 0 : i32
      %sign3A_1027 = arith.cmpi slt, %add3A_1020, %sign3A_1026 : i32
      %sign3A_1028 = arith.extui %sign3A_1027 : i1 to i32
      %sign3A_1029 = arith.subi %sign3A_1025, %sign3A_1028 : i32
      %sign3A_1030 = arith.constant 0 : i32
      %sign3A_1031 = arith.cmpi sgt, %jit3A_1021, %sign3A_1030 : i32
      %sign3A_1032 = arith.extui %sign3A_1031 : i1 to i32
      %sign3A_1033 = arith.constant 0 : i32
      %sign3A_1034 = arith.cmpi slt, %jit3A_1021, %sign3A_1033 : i32
      %sign3A_1035 = arith.extui %sign3A_1034 : i1 to i32
      %sign3A_1036 = arith.subi %sign3A_1032, %sign3A_1035 : i32
      %ne3A_1037 = arith.cmpi ne, %sign3A_1029, %sign3A_1036 : i32
      %rem3A_1038 = arith.remsi %add3A_1020, %jit3A_1021 : i32
      %ne3A_1039 = arith.constant 0 : i32
      %ne3A_1040 = arith.cmpi ne, %rem3A_1038, %ne3A_1039 : i32
      %and3A_1041 = arith.andi %ne3A_1037, %ne3A_1040 : i1
      %sub3A_1042 = arith.constant 1 : i32
      %sub3A_1043 = arith.subi %div3A_1022, %sub3A_1042 : i32
      %select_n3A_1044 = arith.select %and3A_1041, %sub3A_1043, %div3A_1022 : i32
      %jit3A_1045 = arith.constant 8 : i32
      %eq3A_1046 = arith.constant 0 : i32
      %eq3A_1047 = arith.cmpi eq, %jit3A_1045, %eq3A_1046 : i32
      %jit3A_1048 = arith.constant 1 : i32
      %select_n3A_1049 = arith.select %eq3A_1047, %jit3A_1048, %jit3A_1045 : i32
      %rem3A_1050 = arith.remsi %add3A_1020, %select_n3A_1049 : i32
      %ne3A_1051 = arith.constant 0 : i32
      %ne3A_1052 = arith.cmpi ne, %rem3A_1050, %ne3A_1051 : i32
      %lt3A_1053 = arith.constant 0 : i32
      %lt3A_1054 = arith.cmpi slt, %rem3A_1050, %lt3A_1053 : i32
      %lt3A_1055 = arith.constant 0 : i32
      %lt3A_1056 = arith.cmpi slt, %select_n3A_1049, %lt3A_1055 : i32
      %ne3A_1057 = arith.xori %lt3A_1054, %lt3A_1056 : i1
      %and3A_1058 = arith.andi %ne3A_1057, %ne3A_1052 : i1
      %add3A_1059 = arith.addi %rem3A_1050, %select_n3A_1049 : i32
      %select_n3A_1060 = arith.select %and3A_1058, %add3A_1059, %rem3A_1050 : i32
      %mul3A_1061 = arith.constant 1024 : i32
      %mul3A_1062 = arith.muli %select_n3A_1044, %mul3A_1061 : i32
      %add3A_1063 = arith.constant 512 : i32
      %add3A_1064 = arith.addi %mul3A_1062, %add3A_1063 : i32
      %mul3A_1065 = arith.constant 32 : i32
      %mul3A_1066 = arith.muli %select_n3A_1060, %mul3A_1065 : i32
      %add3A_1067 = arith.addi %add3A_1064, %mul3A_1066 : i32
      %multiple_of3A_1068 = tpu.assume_multiple %add3A_1067, 8 : i32
      %dma_start3A_1069 = arith.constant 80 : i32
      %dma_start3A_1070 = arith.constant 0 : i32
      %dma_start3A_1071 = tpu.memref_slice %arg10[%dma_start3A_1069, %dma_start3A_1070] : memref<160x129xf32, #tpu.memory_space<vmem>> -> memref<32x128xf32, #tpu.memory_space<vmem>>
      %dma_start3A_1072 = arith.constant 0 : i32
      %dma_start3A_1073 = tpu.memref_slice %arg4[%multiple_of3A_1068, %dma_start3A_1072] : memref<204800x128xf32, #tpu.memory_space<hbm>> -> memref<32x128xf32, #tpu.memory_space<hbm>>
      %dma_start3A_1074 = arith.constant 0 : i32
      %dma_start3A_1075 = tpu.memref_slice %arg4[%multiple_of3A_1068, %dma_start3A_1074] : memref<204800x128xf32, #tpu.memory_space<hbm>> -> memref<32x128xf32, #tpu.memory_space<hbm>>
      %dma_start3A_1076 = arith.constant 80 : i32
      %dma_start3A_1077 = arith.constant 0 : i32
      %dma_start3A_1078 = tpu.memref_slice %arg10[%dma_start3A_1076, %dma_start3A_1077] : memref<160x129xf32, #tpu.memory_space<vmem>> -> memref<32x128xf32, #tpu.memory_space<vmem>>
      tpu.enqueue_dma source(%dma_start3A_1078 : memref<32x128xf32, #tpu.memory_space<vmem>>) target(%dma_start3A_1075 : memref<32x128xf32, #tpu.memory_space<hbm>>) target_semaphore(%arg16 : memref<!tpu.dma_semaphore, #tpu.memory_space<semaphore_mem>>)
      %mul3A_1079 = arith.constant 32 : i32
      %mul3A_1080 = arith.muli %add3A_867, %mul3A_1079 : i32
      %add3A_1081 = arith.addi %add3A, %mul3A_1080 : i32
      %jit3A_1082 = arith.constant 8 : i32
      %div3A_1083 = arith.divsi %add3A_1081, %jit3A_1082 : i32
      %sign3A_1084 = arith.constant 0 : i32
      %sign3A_1085 = arith.cmpi sgt, %add3A_1081, %sign3A_1084 : i32
      %sign3A_1086 = arith.extui %sign3A_1085 : i1 to i32
      %sign3A_1087 = arith.constant 0 : i32
      %sign3A_1088 = arith.cmpi slt, %add3A_1081, %sign3A_1087 : i32
      %sign3A_1089 = arith.extui %sign3A_1088 : i1 to i32
      %sign3A_1090 = arith.subi %sign3A_1086, %sign3A_1089 : i32
      %sign3A_1091 = arith.constant 0 : i32
      %sign3A_1092 = arith.cmpi sgt, %jit3A_1082, %sign3A_1091 : i32
      %sign3A_1093 = arith.extui %sign3A_1092 : i1 to i32
      %sign3A_1094 = arith.constant 0 : i32
      %sign3A_1095 = arith.cmpi slt, %jit3A_1082, %sign3A_1094 : i32
      %sign3A_1096 = arith.extui %sign3A_1095 : i1 to i32
      %sign3A_1097 = arith.subi %sign3A_1093, %sign3A_1096 : i32
      %ne3A_1098 = arith.cmpi ne, %sign3A_1090, %sign3A_1097 : i32
      %rem3A_1099 = arith.remsi %add3A_1081, %jit3A_1082 : i32
      %ne3A_1100 = arith.constant 0 : i32
      %ne3A_1101 = arith.cmpi ne, %rem3A_1099, %ne3A_1100 : i32
      %and3A_1102 = arith.andi %ne3A_1098, %ne3A_1101 : i1
      %sub3A_1103 = arith.constant 1 : i32
      %sub3A_1104 = arith.subi %div3A_1083, %sub3A_1103 : i32
      %select_n3A_1105 = arith.select %and3A_1102, %sub3A_1104, %div3A_1083 : i32
      %jit3A_1106 = arith.constant 8 : i32
      %eq3A_1107 = arith.constant 0 : i32
      %eq3A_1108 = arith.cmpi eq, %jit3A_1106, %eq3A_1107 : i32
      %jit3A_1109 = arith.constant 1 : i32
      %select_n3A_1110 = arith.select %eq3A_1108, %jit3A_1109, %jit3A_1106 : i32
      %rem3A_1111 = arith.remsi %add3A_1081, %select_n3A_1110 : i32
      %ne3A_1112 = arith.constant 0 : i32
      %ne3A_1113 = arith.cmpi ne, %rem3A_1111, %ne3A_1112 : i32
      %lt3A_1114 = arith.constant 0 : i32
      %lt3A_1115 = arith.cmpi slt, %rem3A_1111, %lt3A_1114 : i32
      %lt3A_1116 = arith.constant 0 : i32
      %lt3A_1117 = arith.cmpi slt, %select_n3A_1110, %lt3A_1116 : i32
      %ne3A_1118 = arith.xori %lt3A_1115, %lt3A_1117 : i1
      %and3A_1119 = arith.andi %ne3A_1118, %ne3A_1113 : i1
      %add3A_1120 = arith.addi %rem3A_1111, %select_n3A_1110 : i32
      %select_n3A_1121 = arith.select %and3A_1119, %add3A_1120, %rem3A_1111 : i32
      %mul3A_1122 = arith.constant 1024 : i32
      %mul3A_1123 = arith.muli %select_n3A_1105, %mul3A_1122 : i32
      %add3A_1124 = arith.constant 768 : i32
      %add3A_1125 = arith.addi %mul3A_1123, %add3A_1124 : i32
      %mul3A_1126 = arith.constant 32 : i32
      %mul3A_1127 = arith.muli %select_n3A_1121, %mul3A_1126 : i32
      %add3A_1128 = arith.addi %add3A_1125, %mul3A_1127 : i32
      %multiple_of3A_1129 = tpu.assume_multiple %add3A_1128, 8 : i32
      %dma_start3A_1130 = arith.constant 120 : i32
      %dma_start3A_1131 = arith.constant 0 : i32
      %dma_start3A_1132 = tpu.memref_slice %arg10[%dma_start3A_1130, %dma_start3A_1131] : memref<160x129xf32, #tpu.memory_space<vmem>> -> memref<32x128xf32, #tpu.memory_space<vmem>>
      %dma_start3A_1133 = arith.constant 0 : i32
      %dma_start3A_1134 = tpu.memref_slice %arg4[%multiple_of3A_1129, %dma_start3A_1133] : memref<204800x128xf32, #tpu.memory_space<hbm>> -> memref<32x128xf32, #tpu.memory_space<hbm>>
      %dma_start3A_1135 = arith.constant 0 : i32
      %dma_start3A_1136 = tpu.memref_slice %arg4[%multiple_of3A_1129, %dma_start3A_1135] : memref<204800x128xf32, #tpu.memory_space<hbm>> -> memref<32x128xf32, #tpu.memory_space<hbm>>
      %dma_start3A_1137 = arith.constant 120 : i32
      %dma_start3A_1138 = arith.constant 0 : i32
      %dma_start3A_1139 = tpu.memref_slice %arg10[%dma_start3A_1137, %dma_start3A_1138] : memref<160x129xf32, #tpu.memory_space<vmem>> -> memref<32x128xf32, #tpu.memory_space<vmem>>
      tpu.enqueue_dma source(%dma_start3A_1139 : memref<32x128xf32, #tpu.memory_space<vmem>>) target(%dma_start3A_1136 : memref<32x128xf32, #tpu.memory_space<hbm>>) target_semaphore(%arg16 : memref<!tpu.dma_semaphore, #tpu.memory_space<semaphore_mem>>)
    }
    %scan3A_109 = arith.constant 25 : i32
    %add3A_110 = arith.constant 1536 : i32
    %add3A_111 = arith.addi %add3A, %add3A_110 : i32
    %jit3A_112 = arith.constant 8 : i32
    %div3A_113 = arith.divsi %add3A_111, %jit3A_112 : i32
    %sign3A_114 = arith.constant 0 : i32
    %sign3A_115 = arith.cmpi sgt, %add3A_111, %sign3A_114 : i32
    %sign3A_116 = arith.extui %sign3A_115 : i1 to i32
    %sign3A_117 = arith.constant 0 : i32
    %sign3A_118 = arith.cmpi slt, %add3A_111, %sign3A_117 : i32
    %sign3A_119 = arith.extui %sign3A_118 : i1 to i32
    %sign3A_120 = arith.subi %sign3A_116, %sign3A_119 : i32
    %sign3A_121 = arith.constant 0 : i32
    %sign3A_122 = arith.cmpi sgt, %jit3A_112, %sign3A_121 : i32
    %sign3A_123 = arith.extui %sign3A_122 : i1 to i32
    %sign3A_124 = arith.constant 0 : i32
    %sign3A_125 = arith.cmpi slt, %jit3A_112, %sign3A_124 : i32
    %sign3A_126 = arith.extui %sign3A_125 : i1 to i32
    %sign3A_127 = arith.subi %sign3A_123, %sign3A_126 : i32
    %ne3A_128 = arith.cmpi ne, %sign3A_120, %sign3A_127 : i32
    %rem3A_129 = arith.remsi %add3A_111, %jit3A_112 : i32
    %ne3A_130 = arith.constant 0 : i32
    %ne3A_131 = arith.cmpi ne, %rem3A_129, %ne3A_130 : i32
    %and3A_132 = arith.andi %ne3A_128, %ne3A_131 : i1
    %sub3A_133 = arith.constant 1 : i32
    %sub3A_134 = arith.subi %div3A_113, %sub3A_133 : i32
    %select_n3A_135 = arith.select %and3A_132, %sub3A_134, %div3A_113 : i32
    %jit3A_136 = arith.constant 8 : i32
    %eq3A_137 = arith.constant 0 : i32
    %eq3A_138 = arith.cmpi eq, %jit3A_136, %eq3A_137 : i32
    %jit3A_139 = arith.constant 1 : i32
    %select_n3A_140 = arith.select %eq3A_138, %jit3A_139, %jit3A_136 : i32
    %rem3A_141 = arith.remsi %add3A_111, %select_n3A_140 : i32
    %ne3A_142 = arith.constant 0 : i32
    %ne3A_143 = arith.cmpi ne, %rem3A_141, %ne3A_142 : i32
    %lt3A_144 = arith.constant 0 : i32
    %lt3A_145 = arith.cmpi slt, %rem3A_141, %lt3A_144 : i32
    %lt3A_146 = arith.constant 0 : i32
    %lt3A_147 = arith.cmpi slt, %select_n3A_140, %lt3A_146 : i32
    %ne3A_148 = arith.xori %lt3A_145, %lt3A_147 : i1
    %and3A_149 = arith.andi %ne3A_148, %ne3A_143 : i1
    %add3A_150 = arith.addi %rem3A_141, %select_n3A_140 : i32
    %select_n3A_151 = arith.select %and3A_149, %add3A_150, %rem3A_141 : i32
    %mul3A_152 = arith.constant 1024 : i32
    %mul3A_153 = arith.muli %select_n3A_135, %mul3A_152 : i32
    %add3A_154 = arith.constant 0 : i32
    %add3A_155 = arith.addi %mul3A_153, %add3A_154 : i32
    %mul3A_156 = arith.constant 32 : i32
    %mul3A_157 = arith.muli %select_n3A_151, %mul3A_156 : i32
    %add3A_158 = arith.addi %add3A_155, %mul3A_157 : i32
    %multiple_of3A_159 = tpu.assume_multiple %add3A_158, 8 : i32
    %dma_wait3A_160 = arith.constant 0 : i32
    %dma_wait3A_161 = arith.constant 0 : i32
    %dma_wait3A_162 = tpu.memref_slice %arg9[%dma_wait3A_160, %dma_wait3A_161] : memref<160x129xf32, #tpu.memory_space<vmem>> -> memref<32x128xf32, #tpu.memory_space<vmem>>
    %dma_wait3A_163 = arith.constant 0 : i32
    %dma_wait3A_164 = tpu.memref_slice %arg4[%multiple_of3A_159, %dma_wait3A_163] : memref<204800x128xf32, #tpu.memory_space<hbm>> -> memref<32x128xf32, #tpu.memory_space<hbm>>
    %dma_wait3A_165 = arith.constant 0 : i32
    %dma_wait3A_166 = tpu.memref_slice %arg4[%multiple_of3A_159, %dma_wait3A_165] : memref<204800x128xf32, #tpu.memory_space<hbm>> -> memref<32x128xf32, #tpu.memory_space<hbm>>
    %dma_wait3A_167 = arith.constant 0 : i32
    %dma_wait3A_168 = arith.constant 0 : i32
    %dma_wait3A_169 = tpu.memref_slice %arg9[%dma_wait3A_167, %dma_wait3A_168] : memref<160x129xf32, #tpu.memory_space<vmem>> -> memref<32x128xf32, #tpu.memory_space<vmem>>
    tpu.wait_dma2 semaphore(%arg15 : memref<!tpu.dma_semaphore, #tpu.memory_space<semaphore_mem>>) src(%dma_wait3A_169 : memref<32x128xf32, #tpu.memory_space<vmem>>) dst(%dma_wait3A_166 : memref<32x128xf32, #tpu.memory_space<hbm>>)
    %add3A_170 = arith.constant 1536 : i32
    %add3A_171 = arith.addi %add3A, %add3A_170 : i32
    %jit3A_172 = arith.constant 8 : i32
    %div3A_173 = arith.divsi %add3A_171, %jit3A_172 : i32
    %sign3A_174 = arith.constant 0 : i32
    %sign3A_175 = arith.cmpi sgt, %add3A_171, %sign3A_174 : i32
    %sign3A_176 = arith.extui %sign3A_175 : i1 to i32
    %sign3A_177 = arith.constant 0 : i32
    %sign3A_178 = arith.cmpi slt, %add3A_171, %sign3A_177 : i32
    %sign3A_179 = arith.extui %sign3A_178 : i1 to i32
    %sign3A_180 = arith.subi %sign3A_176, %sign3A_179 : i32
    %sign3A_181 = arith.constant 0 : i32
    %sign3A_182 = arith.cmpi sgt, %jit3A_172, %sign3A_181 : i32
    %sign3A_183 = arith.extui %sign3A_182 : i1 to i32
    %sign3A_184 = arith.constant 0 : i32
    %sign3A_185 = arith.cmpi slt, %jit3A_172, %sign3A_184 : i32
    %sign3A_186 = arith.extui %sign3A_185 : i1 to i32
    %sign3A_187 = arith.subi %sign3A_183, %sign3A_186 : i32
    %ne3A_188 = arith.cmpi ne, %sign3A_180, %sign3A_187 : i32
    %rem3A_189 = arith.remsi %add3A_171, %jit3A_172 : i32
    %ne3A_190 = arith.constant 0 : i32
    %ne3A_191 = arith.cmpi ne, %rem3A_189, %ne3A_190 : i32
    %and3A_192 = arith.andi %ne3A_188, %ne3A_191 : i1
    %sub3A_193 = arith.constant 1 : i32
    %sub3A_194 = arith.subi %div3A_173, %sub3A_193 : i32
    %select_n3A_195 = arith.select %and3A_192, %sub3A_194, %div3A_173 : i32
    %jit3A_196 = arith.constant 8 : i32
    %eq3A_197 = arith.constant 0 : i32
    %eq3A_198 = arith.cmpi eq, %jit3A_196, %eq3A_197 : i32
    %jit3A_199 = arith.constant 1 : i32
    %select_n3A_200 = arith.select %eq3A_198, %jit3A_199, %jit3A_196 : i32
    %rem3A_201 = arith.remsi %add3A_171, %select_n3A_200 : i32
    %ne3A_202 = arith.constant 0 : i32
    %ne3A_203 = arith.cmpi ne, %rem3A_201, %ne3A_202 : i32
    %lt3A_204 = arith.constant 0 : i32
    %lt3A_205 = arith.cmpi slt, %rem3A_201, %lt3A_204 : i32
    %lt3A_206 = arith.constant 0 : i32
    %lt3A_207 = arith.cmpi slt, %select_n3A_200, %lt3A_206 : i32
    %ne3A_208 = arith.xori %lt3A_205, %lt3A_207 : i1
    %and3A_209 = arith.andi %ne3A_208, %ne3A_203 : i1
    %add3A_210 = arith.addi %rem3A_201, %select_n3A_200 : i32
    %select_n3A_211 = arith.select %and3A_209, %add3A_210, %rem3A_201 : i32
    %mul3A_212 = arith.constant 1024 : i32
    %mul3A_213 = arith.muli %select_n3A_195, %mul3A_212 : i32
    %add3A_214 = arith.constant 256 : i32
    %add3A_215 = arith.addi %mul3A_213, %add3A_214 : i32
    %mul3A_216 = arith.constant 32 : i32
    %mul3A_217 = arith.muli %select_n3A_211, %mul3A_216 : i32
    %add3A_218 = arith.addi %add3A_215, %mul3A_217 : i32
    %multiple_of3A_219 = tpu.assume_multiple %add3A_218, 8 : i32
    %dma_wait3A_220 = arith.constant 40 : i32
    %dma_wait3A_221 = arith.constant 0 : i32
    %dma_wait3A_222 = tpu.memref_slice %arg9[%dma_wait3A_220, %dma_wait3A_221] : memref<160x129xf32, #tpu.memory_space<vmem>> -> memref<32x128xf32, #tpu.memory_space<vmem>>
    %dma_wait3A_223 = arith.constant 0 : i32
    %dma_wait3A_224 = tpu.memref_slice %arg4[%multiple_of3A_219, %dma_wait3A_223] : memref<204800x128xf32, #tpu.memory_space<hbm>> -> memref<32x128xf32, #tpu.memory_space<hbm>>
    %dma_wait3A_225 = arith.constant 0 : i32
    %dma_wait3A_226 = tpu.memref_slice %arg4[%multiple_of3A_219, %dma_wait3A_225] : memref<204800x128xf32, #tpu.memory_space<hbm>> -> memref<32x128xf32, #tpu.memory_space<hbm>>
    %dma_wait3A_227 = arith.constant 40 : i32
    %dma_wait3A_228 = arith.constant 0 : i32
    %dma_wait3A_229 = tpu.memref_slice %arg9[%dma_wait3A_227, %dma_wait3A_228] : memref<160x129xf32, #tpu.memory_space<vmem>> -> memref<32x128xf32, #tpu.memory_space<vmem>>
    tpu.wait_dma2 semaphore(%arg15 : memref<!tpu.dma_semaphore, #tpu.memory_space<semaphore_mem>>) src(%dma_wait3A_229 : memref<32x128xf32, #tpu.memory_space<vmem>>) dst(%dma_wait3A_226 : memref<32x128xf32, #tpu.memory_space<hbm>>)
    %add3A_230 = arith.constant 1536 : i32
    %add3A_231 = arith.addi %add3A, %add3A_230 : i32
    %jit3A_232 = arith.constant 8 : i32
    %div3A_233 = arith.divsi %add3A_231, %jit3A_232 : i32
    %sign3A_234 = arith.constant 0 : i32
    %sign3A_235 = arith.cmpi sgt, %add3A_231, %sign3A_234 : i32
    %sign3A_236 = arith.extui %sign3A_235 : i1 to i32
    %sign3A_237 = arith.constant 0 : i32
    %sign3A_238 = arith.cmpi slt, %add3A_231, %sign3A_237 : i32
    %sign3A_239 = arith.extui %sign3A_238 : i1 to i32
    %sign3A_240 = arith.subi %sign3A_236, %sign3A_239 : i32
    %sign3A_241 = arith.constant 0 : i32
    %sign3A_242 = arith.cmpi sgt, %jit3A_232, %sign3A_241 : i32
    %sign3A_243 = arith.extui %sign3A_242 : i1 to i32
    %sign3A_244 = arith.constant 0 : i32
    %sign3A_245 = arith.cmpi slt, %jit3A_232, %sign3A_244 : i32
    %sign3A_246 = arith.extui %sign3A_245 : i1 to i32
    %sign3A_247 = arith.subi %sign3A_243, %sign3A_246 : i32
    %ne3A_248 = arith.cmpi ne, %sign3A_240, %sign3A_247 : i32
    %rem3A_249 = arith.remsi %add3A_231, %jit3A_232 : i32
    %ne3A_250 = arith.constant 0 : i32
    %ne3A_251 = arith.cmpi ne, %rem3A_249, %ne3A_250 : i32
    %and3A_252 = arith.andi %ne3A_248, %ne3A_251 : i1
    %sub3A_253 = arith.constant 1 : i32
    %sub3A_254 = arith.subi %div3A_233, %sub3A_253 : i32
    %select_n3A_255 = arith.select %and3A_252, %sub3A_254, %div3A_233 : i32
    %jit3A_256 = arith.constant 8 : i32
    %eq3A_257 = arith.constant 0 : i32
    %eq3A_258 = arith.cmpi eq, %jit3A_256, %eq3A_257 : i32
    %jit3A_259 = arith.constant 1 : i32
    %select_n3A_260 = arith.select %eq3A_258, %jit3A_259, %jit3A_256 : i32
    %rem3A_261 = arith.remsi %add3A_231, %select_n3A_260 : i32
    %ne3A_262 = arith.constant 0 : i32
    %ne3A_263 = arith.cmpi ne, %rem3A_261, %ne3A_262 : i32
    %lt3A_264 = arith.constant 0 : i32
    %lt3A_265 = arith.cmpi slt, %rem3A_261, %lt3A_264 : i32
    %lt3A_266 = arith.constant 0 : i32
    %lt3A_267 = arith.cmpi slt, %select_n3A_260, %lt3A_266 : i32
    %ne3A_268 = arith.xori %lt3A_265, %lt3A_267 : i1
    %and3A_269 = arith.andi %ne3A_268, %ne3A_263 : i1
    %add3A_270 = arith.addi %rem3A_261, %select_n3A_260 : i32
    %select_n3A_271 = arith.select %and3A_269, %add3A_270, %rem3A_261 : i32
    %mul3A_272 = arith.constant 1024 : i32
    %mul3A_273 = arith.muli %select_n3A_255, %mul3A_272 : i32
    %add3A_274 = arith.constant 512 : i32
    %add3A_275 = arith.addi %mul3A_273, %add3A_274 : i32
    %mul3A_276 = arith.constant 32 : i32
    %mul3A_277 = arith.muli %select_n3A_271, %mul3A_276 : i32
    %add3A_278 = arith.addi %add3A_275, %mul3A_277 : i32
    %multiple_of3A_279 = tpu.assume_multiple %add3A_278, 8 : i32
    %dma_wait3A_280 = arith.constant 80 : i32
    %dma_wait3A_281 = arith.constant 0 : i32
    %dma_wait3A_282 = tpu.memref_slice %arg9[%dma_wait3A_280, %dma_wait3A_281] : memref<160x129xf32, #tpu.memory_space<vmem>> -> memref<32x128xf32, #tpu.memory_space<vmem>>
    %dma_wait3A_283 = arith.constant 0 : i32
    %dma_wait3A_284 = tpu.memref_slice %arg4[%multiple_of3A_279, %dma_wait3A_283] : memref<204800x128xf32, #tpu.memory_space<hbm>> -> memref<32x128xf32, #tpu.memory_space<hbm>>
    %dma_wait3A_285 = arith.constant 0 : i32
    %dma_wait3A_286 = tpu.memref_slice %arg4[%multiple_of3A_279, %dma_wait3A_285] : memref<204800x128xf32, #tpu.memory_space<hbm>> -> memref<32x128xf32, #tpu.memory_space<hbm>>
    %dma_wait3A_287 = arith.constant 80 : i32
    %dma_wait3A_288 = arith.constant 0 : i32
    %dma_wait3A_289 = tpu.memref_slice %arg9[%dma_wait3A_287, %dma_wait3A_288] : memref<160x129xf32, #tpu.memory_space<vmem>> -> memref<32x128xf32, #tpu.memory_space<vmem>>
    tpu.wait_dma2 semaphore(%arg15 : memref<!tpu.dma_semaphore, #tpu.memory_space<semaphore_mem>>) src(%dma_wait3A_289 : memref<32x128xf32, #tpu.memory_space<vmem>>) dst(%dma_wait3A_286 : memref<32x128xf32, #tpu.memory_space<hbm>>)
    %add3A_290 = arith.constant 1536 : i32
    %add3A_291 = arith.addi %add3A, %add3A_290 : i32
    %jit3A_292 = arith.constant 8 : i32
    %div3A_293 = arith.divsi %add3A_291, %jit3A_292 : i32
    %sign3A_294 = arith.constant 0 : i32
    %sign3A_295 = arith.cmpi sgt, %add3A_291, %sign3A_294 : i32
    %sign3A_296 = arith.extui %sign3A_295 : i1 to i32
    %sign3A_297 = arith.constant 0 : i32
    %sign3A_298 = arith.cmpi slt, %add3A_291, %sign3A_297 : i32
    %sign3A_299 = arith.extui %sign3A_298 : i1 to i32
    %sign3A_300 = arith.subi %sign3A_296, %sign3A_299 : i32
    %sign3A_301 = arith.constant 0 : i32
    %sign3A_302 = arith.cmpi sgt, %jit3A_292, %sign3A_301 : i32
    %sign3A_303 = arith.extui %sign3A_302 : i1 to i32
    %sign3A_304 = arith.constant 0 : i32
    %sign3A_305 = arith.cmpi slt, %jit3A_292, %sign3A_304 : i32
    %sign3A_306 = arith.extui %sign3A_305 : i1 to i32
    %sign3A_307 = arith.subi %sign3A_303, %sign3A_306 : i32
    %ne3A_308 = arith.cmpi ne, %sign3A_300, %sign3A_307 : i32
    %rem3A_309 = arith.remsi %add3A_291, %jit3A_292 : i32
    %ne3A_310 = arith.constant 0 : i32
    %ne3A_311 = arith.cmpi ne, %rem3A_309, %ne3A_310 : i32
    %and3A_312 = arith.andi %ne3A_308, %ne3A_311 : i1
    %sub3A_313 = arith.constant 1 : i32
    %sub3A_314 = arith.subi %div3A_293, %sub3A_313 : i32
    %select_n3A_315 = arith.select %and3A_312, %sub3A_314, %div3A_293 : i32
    %jit3A_316 = arith.constant 8 : i32
    %eq3A_317 = arith.constant 0 : i32
    %eq3A_318 = arith.cmpi eq, %jit3A_316, %eq3A_317 : i32
    %jit3A_319 = arith.constant 1 : i32
    %select_n3A_320 = arith.select %eq3A_318, %jit3A_319, %jit3A_316 : i32
    %rem3A_321 = arith.remsi %add3A_291, %select_n3A_320 : i32
    %ne3A_322 = arith.constant 0 : i32
    %ne3A_323 = arith.cmpi ne, %rem3A_321, %ne3A_322 : i32
    %lt3A_324 = arith.constant 0 : i32
    %lt3A_325 = arith.cmpi slt, %rem3A_321, %lt3A_324 : i32
    %lt3A_326 = arith.constant 0 : i32
    %lt3A_327 = arith.cmpi slt, %select_n3A_320, %lt3A_326 : i32
    %ne3A_328 = arith.xori %lt3A_325, %lt3A_327 : i1
    %and3A_329 = arith.andi %ne3A_328, %ne3A_323 : i1
    %add3A_330 = arith.addi %rem3A_321, %select_n3A_320 : i32
    %select_n3A_331 = arith.select %and3A_329, %add3A_330, %rem3A_321 : i32
    %mul3A_332 = arith.constant 1024 : i32
    %mul3A_333 = arith.muli %select_n3A_315, %mul3A_332 : i32
    %add3A_334 = arith.constant 768 : i32
    %add3A_335 = arith.addi %mul3A_333, %add3A_334 : i32
    %mul3A_336 = arith.constant 32 : i32
    %mul3A_337 = arith.muli %select_n3A_331, %mul3A_336 : i32
    %add3A_338 = arith.addi %add3A_335, %mul3A_337 : i32
    %multiple_of3A_339 = tpu.assume_multiple %add3A_338, 8 : i32
    %dma_wait3A_340 = arith.constant 120 : i32
    %dma_wait3A_341 = arith.constant 0 : i32
    %dma_wait3A_342 = tpu.memref_slice %arg9[%dma_wait3A_340, %dma_wait3A_341] : memref<160x129xf32, #tpu.memory_space<vmem>> -> memref<32x128xf32, #tpu.memory_space<vmem>>
    %dma_wait3A_343 = arith.constant 0 : i32
    %dma_wait3A_344 = tpu.memref_slice %arg4[%multiple_of3A_339, %dma_wait3A_343] : memref<204800x128xf32, #tpu.memory_space<hbm>> -> memref<32x128xf32, #tpu.memory_space<hbm>>
    %dma_wait3A_345 = arith.constant 0 : i32
    %dma_wait3A_346 = tpu.memref_slice %arg4[%multiple_of3A_339, %dma_wait3A_345] : memref<204800x128xf32, #tpu.memory_space<hbm>> -> memref<32x128xf32, #tpu.memory_space<hbm>>
    %dma_wait3A_347 = arith.constant 120 : i32
    %dma_wait3A_348 = arith.constant 0 : i32
    %dma_wait3A_349 = tpu.memref_slice %arg9[%dma_wait3A_347, %dma_wait3A_348] : memref<160x129xf32, #tpu.memory_space<vmem>> -> memref<32x128xf32, #tpu.memory_space<vmem>>
    tpu.wait_dma2 semaphore(%arg15 : memref<!tpu.dma_semaphore, #tpu.memory_space<semaphore_mem>>) src(%dma_wait3A_349 : memref<32x128xf32, #tpu.memory_space<vmem>>) dst(%dma_wait3A_346 : memref<32x128xf32, #tpu.memory_space<hbm>>)
    %add3A_350 = arith.constant 1568 : i32
    %add3A_351 = arith.addi %add3A, %add3A_350 : i32
    %jit3A_352 = arith.constant 8 : i32
    %div3A_353 = arith.divsi %add3A_351, %jit3A_352 : i32
    %sign3A_354 = arith.constant 0 : i32
    %sign3A_355 = arith.cmpi sgt, %add3A_351, %sign3A_354 : i32
    %sign3A_356 = arith.extui %sign3A_355 : i1 to i32
    %sign3A_357 = arith.constant 0 : i32
    %sign3A_358 = arith.cmpi slt, %add3A_351, %sign3A_357 : i32
    %sign3A_359 = arith.extui %sign3A_358 : i1 to i32
    %sign3A_360 = arith.subi %sign3A_356, %sign3A_359 : i32
    %sign3A_361 = arith.constant 0 : i32
    %sign3A_362 = arith.cmpi sgt, %jit3A_352, %sign3A_361 : i32
    %sign3A_363 = arith.extui %sign3A_362 : i1 to i32
    %sign3A_364 = arith.constant 0 : i32
    %sign3A_365 = arith.cmpi slt, %jit3A_352, %sign3A_364 : i32
    %sign3A_366 = arith.extui %sign3A_365 : i1 to i32
    %sign3A_367 = arith.subi %sign3A_363, %sign3A_366 : i32
    %ne3A_368 = arith.cmpi ne, %sign3A_360, %sign3A_367 : i32
    %rem3A_369 = arith.remsi %add3A_351, %jit3A_352 : i32
    %ne3A_370 = arith.constant 0 : i32
    %ne3A_371 = arith.cmpi ne, %rem3A_369, %ne3A_370 : i32
    %and3A_372 = arith.andi %ne3A_368, %ne3A_371 : i1
    %sub3A_373 = arith.constant 1 : i32
    %sub3A_374 = arith.subi %div3A_353, %sub3A_373 : i32
    %select_n3A_375 = arith.select %and3A_372, %sub3A_374, %div3A_353 : i32
    %jit3A_376 = arith.constant 8 : i32
    %eq3A_377 = arith.constant 0 : i32
    %eq3A_378 = arith.cmpi eq, %jit3A_376, %eq3A_377 : i32
    %jit3A_379 = arith.constant 1 : i32
    %select_n3A_380 = arith.select %eq3A_378, %jit3A_379, %jit3A_376 : i32
    %rem3A_381 = arith.remsi %add3A_351, %select_n3A_380 : i32
    %ne3A_382 = arith.constant 0 : i32
    %ne3A_383 = arith.cmpi ne, %rem3A_381, %ne3A_382 : i32
    %lt3A_384 = arith.constant 0 : i32
    %lt3A_385 = arith.cmpi slt, %rem3A_381, %lt3A_384 : i32
    %lt3A_386 = arith.constant 0 : i32
    %lt3A_387 = arith.cmpi slt, %select_n3A_380, %lt3A_386 : i32
    %ne3A_388 = arith.xori %lt3A_385, %lt3A_387 : i1
    %and3A_389 = arith.andi %ne3A_388, %ne3A_383 : i1
    %add3A_390 = arith.addi %rem3A_381, %select_n3A_380 : i32
    %select_n3A_391 = arith.select %and3A_389, %add3A_390, %rem3A_381 : i32
    %mul3A_392 = arith.constant 1024 : i32
    %mul3A_393 = arith.muli %select_n3A_375, %mul3A_392 : i32
    %add3A_394 = arith.constant 0 : i32
    %add3A_395 = arith.addi %mul3A_393, %add3A_394 : i32
    %mul3A_396 = arith.constant 32 : i32
    %mul3A_397 = arith.muli %select_n3A_391, %mul3A_396 : i32
    %add3A_398 = arith.addi %add3A_395, %mul3A_397 : i32
    %multiple_of3A_399 = tpu.assume_multiple %add3A_398, 8 : i32
    %dma_wait3A_400 = arith.constant 0 : i32
    %dma_wait3A_401 = arith.constant 0 : i32
    %dma_wait3A_402 = tpu.memref_slice %arg10[%dma_wait3A_400, %dma_wait3A_401] : memref<160x129xf32, #tpu.memory_space<vmem>> -> memref<32x128xf32, #tpu.memory_space<vmem>>
    %dma_wait3A_403 = arith.constant 0 : i32
    %dma_wait3A_404 = tpu.memref_slice %arg4[%multiple_of3A_399, %dma_wait3A_403] : memref<204800x128xf32, #tpu.memory_space<hbm>> -> memref<32x128xf32, #tpu.memory_space<hbm>>
    %dma_wait3A_405 = arith.constant 0 : i32
    %dma_wait3A_406 = tpu.memref_slice %arg4[%multiple_of3A_399, %dma_wait3A_405] : memref<204800x128xf32, #tpu.memory_space<hbm>> -> memref<32x128xf32, #tpu.memory_space<hbm>>
    %dma_wait3A_407 = arith.constant 0 : i32
    %dma_wait3A_408 = arith.constant 0 : i32
    %dma_wait3A_409 = tpu.memref_slice %arg10[%dma_wait3A_407, %dma_wait3A_408] : memref<160x129xf32, #tpu.memory_space<vmem>> -> memref<32x128xf32, #tpu.memory_space<vmem>>
    tpu.wait_dma2 semaphore(%arg16 : memref<!tpu.dma_semaphore, #tpu.memory_space<semaphore_mem>>) src(%dma_wait3A_409 : memref<32x128xf32, #tpu.memory_space<vmem>>) dst(%dma_wait3A_406 : memref<32x128xf32, #tpu.memory_space<hbm>>)
    %add3A_410 = arith.constant 1568 : i32
    %add3A_411 = arith.addi %add3A, %add3A_410 : i32
    %jit3A_412 = arith.constant 8 : i32
    %div3A_413 = arith.divsi %add3A_411, %jit3A_412 : i32
    %sign3A_414 = arith.constant 0 : i32
    %sign3A_415 = arith.cmpi sgt, %add3A_411, %sign3A_414 : i32
    %sign3A_416 = arith.extui %sign3A_415 : i1 to i32
    %sign3A_417 = arith.constant 0 : i32
    %sign3A_418 = arith.cmpi slt, %add3A_411, %sign3A_417 : i32
    %sign3A_419 = arith.extui %sign3A_418 : i1 to i32
    %sign3A_420 = arith.subi %sign3A_416, %sign3A_419 : i32
    %sign3A_421 = arith.constant 0 : i32
    %sign3A_422 = arith.cmpi sgt, %jit3A_412, %sign3A_421 : i32
    %sign3A_423 = arith.extui %sign3A_422 : i1 to i32
    %sign3A_424 = arith.constant 0 : i32
    %sign3A_425 = arith.cmpi slt, %jit3A_412, %sign3A_424 : i32
    %sign3A_426 = arith.extui %sign3A_425 : i1 to i32
    %sign3A_427 = arith.subi %sign3A_423, %sign3A_426 : i32
    %ne3A_428 = arith.cmpi ne, %sign3A_420, %sign3A_427 : i32
    %rem3A_429 = arith.remsi %add3A_411, %jit3A_412 : i32
    %ne3A_430 = arith.constant 0 : i32
    %ne3A_431 = arith.cmpi ne, %rem3A_429, %ne3A_430 : i32
    %and3A_432 = arith.andi %ne3A_428, %ne3A_431 : i1
    %sub3A_433 = arith.constant 1 : i32
    %sub3A_434 = arith.subi %div3A_413, %sub3A_433 : i32
    %select_n3A_435 = arith.select %and3A_432, %sub3A_434, %div3A_413 : i32
    %jit3A_436 = arith.constant 8 : i32
    %eq3A_437 = arith.constant 0 : i32
    %eq3A_438 = arith.cmpi eq, %jit3A_436, %eq3A_437 : i32
    %jit3A_439 = arith.constant 1 : i32
    %select_n3A_440 = arith.select %eq3A_438, %jit3A_439, %jit3A_436 : i32
    %rem3A_441 = arith.remsi %add3A_411, %select_n3A_440 : i32
    %ne3A_442 = arith.constant 0 : i32
    %ne3A_443 = arith.cmpi ne, %rem3A_441, %ne3A_442 : i32
    %lt3A_444 = arith.constant 0 : i32
    %lt3A_445 = arith.cmpi slt, %rem3A_441, %lt3A_444 : i32
    %lt3A_446 = arith.constant 0 : i32
    %lt3A_447 = arith.cmpi slt, %select_n3A_440, %lt3A_446 : i32
    %ne3A_448 = arith.xori %lt3A_445, %lt3A_447 : i1
    %and3A_449 = arith.andi %ne3A_448, %ne3A_443 : i1
    %add3A_450 = arith.addi %rem3A_441, %select_n3A_440 : i32
    %select_n3A_451 = arith.select %and3A_449, %add3A_450, %rem3A_441 : i32
    %mul3A_452 = arith.constant 1024 : i32
    %mul3A_453 = arith.muli %select_n3A_435, %mul3A_452 : i32
    %add3A_454 = arith.constant 256 : i32
    %add3A_455 = arith.addi %mul3A_453, %add3A_454 : i32
    %mul3A_456 = arith.constant 32 : i32
    %mul3A_457 = arith.muli %select_n3A_451, %mul3A_456 : i32
    %add3A_458 = arith.addi %add3A_455, %mul3A_457 : i32
    %multiple_of3A_459 = tpu.assume_multiple %add3A_458, 8 : i32
    %dma_wait3A_460 = arith.constant 40 : i32
    %dma_wait3A_461 = arith.constant 0 : i32
    %dma_wait3A_462 = tpu.memref_slice %arg10[%dma_wait3A_460, %dma_wait3A_461] : memref<160x129xf32, #tpu.memory_space<vmem>> -> memref<32x128xf32, #tpu.memory_space<vmem>>
    %dma_wait3A_463 = arith.constant 0 : i32
    %dma_wait3A_464 = tpu.memref_slice %arg4[%multiple_of3A_459, %dma_wait3A_463] : memref<204800x128xf32, #tpu.memory_space<hbm>> -> memref<32x128xf32, #tpu.memory_space<hbm>>
    %dma_wait3A_465 = arith.constant 0 : i32
    %dma_wait3A_466 = tpu.memref_slice %arg4[%multiple_of3A_459, %dma_wait3A_465] : memref<204800x128xf32, #tpu.memory_space<hbm>> -> memref<32x128xf32, #tpu.memory_space<hbm>>
    %dma_wait3A_467 = arith.constant 40 : i32
    %dma_wait3A_468 = arith.constant 0 : i32
    %dma_wait3A_469 = tpu.memref_slice %arg10[%dma_wait3A_467, %dma_wait3A_468] : memref<160x129xf32, #tpu.memory_space<vmem>> -> memref<32x128xf32, #tpu.memory_space<vmem>>
    tpu.wait_dma2 semaphore(%arg16 : memref<!tpu.dma_semaphore, #tpu.memory_space<semaphore_mem>>) src(%dma_wait3A_469 : memref<32x128xf32, #tpu.memory_space<vmem>>) dst(%dma_wait3A_466 : memref<32x128xf32, #tpu.memory_space<hbm>>)
    %add3A_470 = arith.constant 1568 : i32
    %add3A_471 = arith.addi %add3A, %add3A_470 : i32
    %jit3A_472 = arith.constant 8 : i32
    %div3A_473 = arith.divsi %add3A_471, %jit3A_472 : i32
    %sign3A_474 = arith.constant 0 : i32
    %sign3A_475 = arith.cmpi sgt, %add3A_471, %sign3A_474 : i32
    %sign3A_476 = arith.extui %sign3A_475 : i1 to i32
    %sign3A_477 = arith.constant 0 : i32
    %sign3A_478 = arith.cmpi slt, %add3A_471, %sign3A_477 : i32
    %sign3A_479 = arith.extui %sign3A_478 : i1 to i32
    %sign3A_480 = arith.subi %sign3A_476, %sign3A_479 : i32
    %sign3A_481 = arith.constant 0 : i32
    %sign3A_482 = arith.cmpi sgt, %jit3A_472, %sign3A_481 : i32
    %sign3A_483 = arith.extui %sign3A_482 : i1 to i32
    %sign3A_484 = arith.constant 0 : i32
    %sign3A_485 = arith.cmpi slt, %jit3A_472, %sign3A_484 : i32
    %sign3A_486 = arith.extui %sign3A_485 : i1 to i32
    %sign3A_487 = arith.subi %sign3A_483, %sign3A_486 : i32
    %ne3A_488 = arith.cmpi ne, %sign3A_480, %sign3A_487 : i32
    %rem3A_489 = arith.remsi %add3A_471, %jit3A_472 : i32
    %ne3A_490 = arith.constant 0 : i32
    %ne3A_491 = arith.cmpi ne, %rem3A_489, %ne3A_490 : i32
    %and3A_492 = arith.andi %ne3A_488, %ne3A_491 : i1
    %sub3A_493 = arith.constant 1 : i32
    %sub3A_494 = arith.subi %div3A_473, %sub3A_493 : i32
    %select_n3A_495 = arith.select %and3A_492, %sub3A_494, %div3A_473 : i32
    %jit3A_496 = arith.constant 8 : i32
    %eq3A_497 = arith.constant 0 : i32
    %eq3A_498 = arith.cmpi eq, %jit3A_496, %eq3A_497 : i32
    %jit3A_499 = arith.constant 1 : i32
    %select_n3A_500 = arith.select %eq3A_498, %jit3A_499, %jit3A_496 : i32
    %rem3A_501 = arith.remsi %add3A_471, %select_n3A_500 : i32
    %ne3A_502 = arith.constant 0 : i32
    %ne3A_503 = arith.cmpi ne, %rem3A_501, %ne3A_502 : i32
    %lt3A_504 = arith.constant 0 : i32
    %lt3A_505 = arith.cmpi slt, %rem3A_501, %lt3A_504 : i32
    %lt3A_506 = arith.constant 0 : i32
    %lt3A_507 = arith.cmpi slt, %select_n3A_500, %lt3A_506 : i32
    %ne3A_508 = arith.xori %lt3A_505, %lt3A_507 : i1
    %and3A_509 = arith.andi %ne3A_508, %ne3A_503 : i1
    %add3A_510 = arith.addi %rem3A_501, %select_n3A_500 : i32
    %select_n3A_511 = arith.select %and3A_509, %add3A_510, %rem3A_501 : i32
    %mul3A_512 = arith.constant 1024 : i32
    %mul3A_513 = arith.muli %select_n3A_495, %mul3A_512 : i32
    %add3A_514 = arith.constant 512 : i32
    %add3A_515 = arith.addi %mul3A_513, %add3A_514 : i32
    %mul3A_516 = arith.constant 32 : i32
    %mul3A_517 = arith.muli %select_n3A_511, %mul3A_516 : i32
    %add3A_518 = arith.addi %add3A_515, %mul3A_517 : i32
    %multiple_of3A_519 = tpu.assume_multiple %add3A_518, 8 : i32
    %dma_wait3A_520 = arith.constant 80 : i32
    %dma_wait3A_521 = arith.constant 0 : i32
    %dma_wait3A_522 = tpu.memref_slice %arg10[%dma_wait3A_520, %dma_wait3A_521] : memref<160x129xf32, #tpu.memory_space<vmem>> -> memref<32x128xf32, #tpu.memory_space<vmem>>
    %dma_wait3A_523 = arith.constant 0 : i32
    %dma_wait3A_524 = tpu.memref_slice %arg4[%multiple_of3A_519, %dma_wait3A_523] : memref<204800x128xf32, #tpu.memory_space<hbm>> -> memref<32x128xf32, #tpu.memory_space<hbm>>
    %dma_wait3A_525 = arith.constant 0 : i32
    %dma_wait3A_526 = tpu.memref_slice %arg4[%multiple_of3A_519, %dma_wait3A_525] : memref<204800x128xf32, #tpu.memory_space<hbm>> -> memref<32x128xf32, #tpu.memory_space<hbm>>
    %dma_wait3A_527 = arith.constant 80 : i32
    %dma_wait3A_528 = arith.constant 0 : i32
    %dma_wait3A_529 = tpu.memref_slice %arg10[%dma_wait3A_527, %dma_wait3A_528] : memref<160x129xf32, #tpu.memory_space<vmem>> -> memref<32x128xf32, #tpu.memory_space<vmem>>
    tpu.wait_dma2 semaphore(%arg16 : memref<!tpu.dma_semaphore, #tpu.memory_space<semaphore_mem>>) src(%dma_wait3A_529 : memref<32x128xf32, #tpu.memory_space<vmem>>) dst(%dma_wait3A_526 : memref<32x128xf32, #tpu.memory_space<hbm>>)
    %add3A_530 = arith.constant 1568 : i32
    %add3A_531 = arith.addi %add3A, %add3A_530 : i32
    %jit3A_532 = arith.constant 8 : i32
    %div3A_533 = arith.divsi %add3A_531, %jit3A_532 : i32
    %sign3A_534 = arith.constant 0 : i32
    %sign3A_535 = arith.cmpi sgt, %add3A_531, %sign3A_534 : i32
    %sign3A_536 = arith.extui %sign3A_535 : i1 to i32
    %sign3A_537 = arith.constant 0 : i32
    %sign3A_538 = arith.cmpi slt, %add3A_531, %sign3A_537 : i32
    %sign3A_539 = arith.extui %sign3A_538 : i1 to i32
    %sign3A_540 = arith.subi %sign3A_536, %sign3A_539 : i32
    %sign3A_541 = arith.constant 0 : i32
    %sign3A_542 = arith.cmpi sgt, %jit3A_532, %sign3A_541 : i32
    %sign3A_543 = arith.extui %sign3A_542 : i1 to i32
    %sign3A_544 = arith.constant 0 : i32
    %sign3A_545 = arith.cmpi slt, %jit3A_532, %sign3A_544 : i32
    %sign3A_546 = arith.extui %sign3A_545 : i1 to i32
    %sign3A_547 = arith.subi %sign3A_543, %sign3A_546 : i32
    %ne3A_548 = arith.cmpi ne, %sign3A_540, %sign3A_547 : i32
    %rem3A_549 = arith.remsi %add3A_531, %jit3A_532 : i32
    %ne3A_550 = arith.constant 0 : i32
    %ne3A_551 = arith.cmpi ne, %rem3A_549, %ne3A_550 : i32
    %and3A_552 = arith.andi %ne3A_548, %ne3A_551 : i1
    %sub3A_553 = arith.constant 1 : i32
    %sub3A_554 = arith.subi %div3A_533, %sub3A_553 : i32
    %select_n3A_555 = arith.select %and3A_552, %sub3A_554, %div3A_533 : i32
    %jit3A_556 = arith.constant 8 : i32
    %eq3A_557 = arith.constant 0 : i32
    %eq3A_558 = arith.cmpi eq, %jit3A_556, %eq3A_557 : i32
    %jit3A_559 = arith.constant 1 : i32
    %select_n3A_560 = arith.select %eq3A_558, %jit3A_559, %jit3A_556 : i32
    %rem3A_561 = arith.remsi %add3A_531, %select_n3A_560 : i32
    %ne3A_562 = arith.constant 0 : i32
    %ne3A_563 = arith.cmpi ne, %rem3A_561, %ne3A_562 : i32
    %lt3A_564 = arith.constant 0 : i32
    %lt3A_565 = arith.cmpi slt, %rem3A_561, %lt3A_564 : i32
    %lt3A_566 = arith.constant 0 : i32
    %lt3A_567 = arith.cmpi slt, %select_n3A_560, %lt3A_566 : i32
    %ne3A_568 = arith.xori %lt3A_565, %lt3A_567 : i1
    %and3A_569 = arith.andi %ne3A_568, %ne3A_563 : i1
    %add3A_570 = arith.addi %rem3A_561, %select_n3A_560 : i32
    %select_n3A_571 = arith.select %and3A_569, %add3A_570, %rem3A_561 : i32
    %mul3A_572 = arith.constant 1024 : i32
    %mul3A_573 = arith.muli %select_n3A_555, %mul3A_572 : i32
    %add3A_574 = arith.constant 768 : i32
    %add3A_575 = arith.addi %mul3A_573, %add3A_574 : i32
    %mul3A_576 = arith.constant 32 : i32
    %mul3A_577 = arith.muli %select_n3A_571, %mul3A_576 : i32
    %add3A_578 = arith.addi %add3A_575, %mul3A_577 : i32
    %multiple_of3A_579 = tpu.assume_multiple %add3A_578, 8 : i32
    %dma_wait3A_580 = arith.constant 120 : i32
    %dma_wait3A_581 = arith.constant 0 : i32
    %dma_wait3A_582 = tpu.memref_slice %arg10[%dma_wait3A_580, %dma_wait3A_581] : memref<160x129xf32, #tpu.memory_space<vmem>> -> memref<32x128xf32, #tpu.memory_space<vmem>>
    %dma_wait3A_583 = arith.constant 0 : i32
    %dma_wait3A_584 = tpu.memref_slice %arg4[%multiple_of3A_579, %dma_wait3A_583] : memref<204800x128xf32, #tpu.memory_space<hbm>> -> memref<32x128xf32, #tpu.memory_space<hbm>>
    %dma_wait3A_585 = arith.constant 0 : i32
    %dma_wait3A_586 = tpu.memref_slice %arg4[%multiple_of3A_579, %dma_wait3A_585] : memref<204800x128xf32, #tpu.memory_space<hbm>> -> memref<32x128xf32, #tpu.memory_space<hbm>>
    %dma_wait3A_587 = arith.constant 120 : i32
    %dma_wait3A_588 = arith.constant 0 : i32
    %dma_wait3A_589 = tpu.memref_slice %arg10[%dma_wait3A_587, %dma_wait3A_588] : memref<160x129xf32, #tpu.memory_space<vmem>> -> memref<32x128xf32, #tpu.memory_space<vmem>>
    tpu.wait_dma2 semaphore(%arg16 : memref<!tpu.dma_semaphore, #tpu.memory_space<semaphore_mem>>) src(%dma_wait3A_589 : memref<32x128xf32, #tpu.memory_space<vmem>>) dst(%dma_wait3A_586 : memref<32x128xf32, #tpu.memory_space<hbm>>)
    return
  }
}

</mosaic_0001>

<sc_bundles>
// kernel: kernel.3.cloned.1.call-start
scs
__scs_entry_jumppad:
0x0: {  	(pc) =	sbr.rel $0x88, $3  }
0x1: {  	(tag) =	ssettag $0x0;
	lr =	simm.s32 $0x1  }
0x2: {  	[smem:$0x3F9F] =	sst lr;
	_ =	strace $0xD0000000  }
0x3: {  	_ = 	snop  }
0x4: {  	_ = 	snop  }
0x5: {  	_ = 	snop  }
0x6: {  	_ = 	snop  }
0x7: {  	_ = 	snop  }
__scs_overlays_trampoline_lowered:
0x8: {  	[smem:$0x3FAE] =	sst s0  }
0x9: {  	[smem:$0x3FAF] =	sst s1  }
0xa: {  	[smem:$0x3FB0] =	sst s2  }
0xb: {  	[smem:$0x3FB1] =	sst s3  }
0xc: {  	[smem:$0x3FB2] =	sst s4  }
0xd: {  	[smem:$0x3FB3] =	sst s5  }
0xe: {  	[smem:$0x3FB4] =	sst s6  }
0xf: {  	[smem:$0x3FB5] =	sst s7  }
0x10: {  	[smem:$0x3FB6] =	sst s8  }
0x11: {  	[smem:$0x3FB7] =	sst s9;
	s0 =	simm.s32 @!p0 $0x0  }
0x12: {  	s1 =	sld [smem:$0x3F9D];
	s0 =	simm.s32 @p0 $0x1  }
0x13: {  	[smem:$0x3FB8] =	sst s0;
	s0 =	simm.s32 @!p1 $0x0  }
0x14: {  	s2 =	sld [smem:$0x3F9C];
	s0 =	simm.s32 @p1 $0x1  }
0x15: {  	[smem:$0x3FB9] =	sst s0;
	s0 =	simm.s32 @!p2 $0x0  }
0x16: {  	s3 =	sld [smem:$0x3FDB];
	s0 =	simm.s32 @p2 $0x1  }
0x17: {  	s4 =	simm.s32 $0x1BF5;
	[smem:$0x3FBB] =	sst s0  }
0x18: {  	s0 =	sld [smem:$0x3F9E];
	_ =	swait.ge [sflag:s4], $0x0  }
0x19: {  	s7 =	sld [smem:$0x3F9F]  }
0x1a: {  	s8 =	sadd.s32 $0xFFFFE003, lr  }
0x1b: {  	s9 =	sadd.s32 $0xFFFFFEF7, lr;
	s5 =	simm.s32 $0xFFFFFFFF;
	p2 =	slt.u32 s8, $0xFFFFF086  }
0x1c: {  	p1 =	slt.u32 s9, $0xF7A;
	s5 =	simm.s32 @!p2 $0x0  }
0x1d: {  	s5 =	simm.s32 @p1 $0x1;
	p0 =	seq.s32 s7, s2  }
0x1e: {  	s7 =	smul.u32 @!p0 $0xF7A, s2;
	p2 =	seq.s32 @!p0 s5, $0x0  }
0x1f: {  	s9 =	smul.u32 $0xF7A, s1;
	s8 =	simm.s32 @!p0 $0x1BF5;
	p2 =	por !p2, p0  }
0x20: {  	[sflag:s8] =	ssyncset.s32 @!p0 $0xFFFFF086;
	s6 =	sadd.s32 @!p0 s3, s7;
	s7 =	simm.s32 @!p0 $0x108  }
0x21: {  	s3 =	sadd.s32 s3, s9;
	s6 =	sadd.s32 @!p0 $0x88, s6;
	s7 =	simm.s32 @p2 $0x1082  }
0x22: {  	[simem:s7], [sflag:s8] =	dma.local @!p0 [hbm:s6], $0xF7A  }
0x23: {  	s9 =	sor.u32 $0xD0000000, s2;
	s6 =	simm.s32 $0x108;
	_ =	swait.ge @!p0 [sflag:s8], $0x0  }
0x24: {  	s3 =	sadd.s32 $0x88, s3;
	s6 =	simm.s32 @!p1 $0x1082;
	[sflag:s4] =	ssyncset.s32 $0xFFFFF086  }
0x25: {  	[simem:s6], [sflag:s4] =	dma.local [hbm:s3], $0xF7A  }
0x26: {  	[smem:$0x3F9F] =	sst s1;
	(tag) =	ssettag s2;
	_ =	strace s9  }
0x27: {  	s1 =	sld [smem:$0x3FAF]  }
0x28: {  	s2 =	sld [smem:$0x3FB0]  }
0x29: {  	s4 =	sld [smem:$0x3FB2]  }
0x2a: {  	p0 =	seq.s32 s5, $0x0;
	s5 =	sld [smem:$0x3FB3]  }
0x2b: {  	s6 =	sld [smem:$0x3FB4]  }
0x2c: {  	s7 =	sld [smem:$0x3FB5]  }
0x2d: {  	s3 =	simm.s32 $0x108;
	s8 =	sld [smem:$0x3FB6]  }
0x2e: {  	s3 =	simm.s32 @!p0 $0x1082;
	s9 =	sld [smem:$0x3FB7]  }
0x2f: {  	lr =	sadd.s32 s0, s3;
	s0 =	sld [smem:$0x3FAE]  }
0x30: {  	s3 =	sld [smem:$0x3FB1]  }
0x31: {  	[smem:$0x3FBA] =	sst s10  }
0x32: {  	s10 =	sld [smem:$0x3FB8];
	_ =	sdelay $0x3  }
0x33: {  	p0 =	seq.s32 s10, $0x1;
	s10 =	sld [smem:$0x3FBA];
	_ =	sdelay $0x3  }
0x34: {  	[smem:$0x3FBA] =	sst s10  }
0x35: {  	s10 =	sld [smem:$0x3FB9];
	_ =	sdelay $0x3  }
0x36: {  	p1 =	seq.s32 s10, $0x1;
	s10 =	sld [smem:$0x3FBA];
	_ =	sdelay $0x3  }
0x37: {  	[smem:$0x3FBA] =	sst s10  }
0x38: {  	s10 =	sld [smem:$0x3FBB]  }
0x39: {  	_ = 	snop;
	(pc) =	sbr.ind lr, $3  }
0x3a: {  	_ = 	snop  }
0x3b: {  	_ = 	snop  }
0x3c: {  	p2 =	seq.s32 s10, $0x1;
	s10 =	sld [smem:$0x3FBA]  }
0x3d: {  	_ =	shalt  }
0x3e: {  	_ =	shalt  }
0x3f: {  	_ =	shalt  }
0x40: {  	_ =	shalt  }
0x41: {  	_ =	shalt  }
0x42: {  	_ =	shalt  }
0x43: {  	_ =	shalt  }
0x44: {  	_ =	shalt  }
0x45: {  	_ =	shalt  }
0x46: {  	_ =	shalt  }
0x47: {  	_ =	shalt  }
0x48: {  	_ =	shalt  }
0x49: {  	_ =	shalt  }
0x4a: {  	_ =	shalt  }
0x4b: {  	_ =	shalt  }
0x4c: {  	_ =	shalt  }
0x4d: {  	_ =	shalt  }
0x4e: {  	_ =	shalt  }
0x4f: {  	_ =	shalt  }
0x50: {  	_ =	shalt  }
0x51: {  	_ =	shalt  }
0x52: {  	_ =	shalt  }
0x53: {  	_ =	shalt  }
0x54: {  	_ =	shalt  }
0x55: {  	_ =	shalt  }
0x56: {  	_ =	shalt  }
0x57: {  	_ =	shalt  }
0x58: {  	_ =	shalt  }
0x59: {  	_ =	shalt  }
0x5a: {  	_ =	shalt  }
0x5b: {  	_ =	shalt  }
0x5c: {  	_ =	shalt  }
0x5d: {  	_ =	shalt  }
0x5e: {  	_ =	shalt  }
0x5f: {  	_ =	shalt  }
0x60: {  	_ =	shalt  }
0x61: {  	_ =	shalt  }
0x62: {  	_ =	shalt  }
0x63: {  	_ =	shalt  }
0x64: {  	_ =	shalt  }
0x65: {  	_ =	shalt  }
0x66: {  	_ =	shalt  }
0x67: {  	_ =	shalt  }
0x68: {  	_ =	shalt  }
0x69: {  	_ =	shalt  }
0x6a: {  	_ =	shalt  }
0x6b: {  	_ =	shalt  }
0x6c: {  	_ =	shalt  }
0x6d: {  	_ =	shalt  }
0x6e: {  	_ =	shalt  }
0x6f: {  	_ =	shalt  }
0x70: {  	_ =	shalt  }
0x71: {  	_ =	shalt  }
0x72: {  	_ =	shalt  }
0x73: {  	_ =	shalt  }
0x74: {  	_ =	shalt  }
0x75: {  	_ =	shalt  }
0x76: {  	_ =	shalt  }
0x77: {  	_ =	shalt  }
0x78: {  	_ =	shalt  }
0x79: {  	_ =	shalt  }
0x7a: {  	_ =	shalt  }
0x7b: {  	_ =	shalt  }
0x7c: {  	_ =	shalt  }
0x7d: {  	_ =	shalt  }
0x7e: {  	_ =	shalt  }
0x7f: {  	_ =	shalt  }
0x80: {  	_ =	shalt  }
0x81: {  	_ =	shalt  }
0x82: {  	_ =	shalt  }
0x83: {  	_ =	shalt  }
0x84: {  	_ =	shalt  }
0x85: {  	_ =	shalt  }
0x86: {  	_ =	shalt  }
0x87: {  	_ =	shalt  }
.Lfunc_end0:
.L_simem_size_0:
called_computation_lowered:
.L_overlay_start_0:
0x88: {  	s2 =	sld [smem:$0x3FD9]  }
0x89: {  	s3 =	sld [smem:$0x3FFE];
	_ =	sdelay $0x1  }
0x8a: {  	s1 =	srdreg.scid  }
0x8b: {  	s0 =	sand.u32 $0x1, s1  }
0x8c: {  	s17 =	sshll.u32 s0, $0xA;
	s2 =	sadd.s32 s3, s2  }
0x8d: {  	s2 =	sadd.s32 s2, s17  }
0x8e: {  	[smem:$0x3FC6] =	sst s2  }
0x8f: {  	_ = 	snop  }
0x90: {  	s2 =	sld [smem:$0x3FD0];
	(tm) =	ssettm $0x1  }
0x91: {  	s18 =	sld [smem:$0x3FFB];
	_ =	sdelay $0x3  }
0x92: {  	_ =	strace s18  }
0x93: {  	s3 =	sld [smem:$0x3FFC];
	_ =	sdelay $0x3  }
0x94: {  	_ =	strace s3  }
0x95: {  	s3 =	sld [smem:$0x3FFD];
	_ =	sdelay $0x3  }
0x96: {  	_ =	strace s3  }
0x97: {  	_ =	strace $0x8FFFFFFF  }
0x98: {  	s19 =	sld [smem:$0x3FDB];
	_ =	sdelay $0x1  }
0x99: {  	s4 =	simm.s32 $_scs_section_size  }
0x9a: {  	s5 =	simm.s32 $_size__tile_overlayer_lowered;
	s6 =	simm.s32 $_tile_overlayer_lowered  }
0x9b: {  	s22 =	simm.s32 $0x1BFF;
	s21 =	sshll.u32 s6, $0x1;
	s3 =	sadd.s32 s4, s19  }
0x9c: {  	s7 =	simm.s32 $0x0;
	s20 =	sshll.u32 s5, $0x1;
	s5 =	sadd.s32 s21, s3  }
0x9d: {  	[timem:s7], [sflag:s22] =	dma.local [hbm:s5], s20  }
0x9e: {  	_ =	swait.ge [sflag:s22], s20  }
0x9f: {  	s4 =	ssub.s32 $0x0, s20;
	[sflag:s22] =	ssyncset.done $0x0  }
0xa0: {  	[sflag:s22] =	ssyncadd.s32 s4;
	_ =	sdelay $0x1  }
0xa1: {  	s23 =	simm.s32 $0x1B8B  }
0xa2: {  	_ =	swait.ge [sflag:s23], $0x1  }
0xa3: {  	[sflag:s23] =	ssyncset.done $0x0  }
0xa4: {  	s25 =	simm.s32 $0x1B8E;
	s24 =	sld [smem:$0x3FFE];
	[sflag:s23] =	ssyncadd.s32 $0xFFFFFFFF  }
0xa5: {  	s26 =	simm.s32 $execute0_lowered;
	[smem:$0x3FD2] =	sst s25  }
0xa6: {  	s5 =	sshll.u32 s26, $0x1;
	_ =	strace $0x80000046;
	[dreg:$0x1] =	wrdreg $0xFFFFFFFF  }
0xa7: {  	s28 =	simm.s32 $_size_execute0_lowered;
	s3 =	sadd.s32 s3, s5;
	[dreg:$0x0] =	wrdreg $0x0  }
0xa8: {  	s5 =	sshll.u32 s28, $0x1;
	[dreg:$0x2] =	wrdreg s3  }
0xa9: {  	[dreg:$0x3] =	wrdreg s5  }
0xaa: {  	[dreg:$0x4] =	wrdreg $0xC0  }
0xab: {  	_ =	task [dreg:s7], $0x5FFFF  }
0xac: {  	[dreg:$0x1] =	wrdreg $0xFFFFFFFF  }
0xad: {  	[dreg:$0x0] =	wrdreg $0x60  }
0xae: {  	[dreg:$0x2] =	wrdreg s24  }
0xaf: {  	[dreg:$0x3] =	wrdreg s2  }
0xb0: {  	[dreg:$0x4] =	wrdreg $0x9  }
0xb1: {  	_ =	task.clear_ibuf [dreg:s7], $0x5FFFF;
	_ =	strace $0x90000046  }
0xb2: {  	s29 =	simm.s32 $0x9;
	_ =	strace $0x80000048  }
0xb3: {  	_ =	swait.ge [sflag:s29], $0x1  }
0xb4: {  	[sflag:s29] =	ssyncadd.s32 $0xFFFFFFFF  }
0xb5: {  	_ =	strace $0x90000048  }
0xb6: {  	_ =	sfence  }
0xb7: {  	s30 =	sld [smem:$0x0];
	_ =	sdelay $0x2  }
0xb8: {  	s31 =	sshll.u32 s1, $0xD;
	s1 =	sshrl.u32 s1, $0x2  }
0xb9: {  	s3 =	sand.u32 $0x4000, s31;
	s1 =	sadd.s32 s1, s30  }
0xba: {  	s0 =	sor.u32 s3, s0;
	s1 =	sshll.u32 s1, $0x11  }
0xbb: {  	s0 =	sor.u32 s1, s0  }
0xbc: {  	s0 =	sadd.s32 $0x8F2B, s0  }
0xbd: {  	[sflag:s0] =	ssyncadd.remote.s32 $0x1  }
0xbe: {  	_ =	sfence.sel $0xFFFF  }
0xbf: {  	[dreg:$0x0] =	wrdreg $0xFFFFFFFF;
	(pc) =	sbr.abs _section_cstart, $3  }
0xc0: {  	[dreg:$0x1] =	wrdreg $0xFFFFFFFF  }
0xc1: {  	_ =	task.clear_ibuf [dreg:s7], $0x2FFFF;
	_ =	strace $0x9FFFFFFF  }
0xc2: {  	(tm) =	ssettm $0x7FFFFFFF  }
0xc3: {  	_ =	shalt  }
tec
execute0_lowered:
.L_overlay_start_1:
0x0: {  	(tag) =	ssettag $0x1  }
0x1: {  	s0 =	rddreg [dreg:$0x0];
	s1 =	srdreg.scid;
	v0 =	vimm.s32 $0x18F8;
	vm0 =	vcmask $0x300;
	v1 =	vimm.s32 $0x4378  }
0x2: {  	s6 =	stileid.u32;
	s2 =	rddreg [dreg:$0x1];
	vm1 =	vcmask $0x704;
	s5 =	simm.s32 $0x0;
	v0 =	vsel vm0, $0x0, v0;
	v1 =	vsel vm0, $0x2A80, v1  }
0x3: {  	vm15 =	vcmask $0xB08;
	s19 =	simm.s32 $0x200;
	s21 =	simm.s32 $0x3;
	s22 =	simm.s32 $0x2;
	v0 =	vsel vm1, $0x88, v0;
	v1 =	vsel vm1, $0x2B08, v1  }
0x4: {  	vm4 =	vcmask $0xF0C;
	s23 =	simm.s32 $0x4400;
	s28 =	simm.s32 $0x5;
	s29 =	simm.s32 $0x6;
	v0 =	vsel vm15, $0x110, v0;
	v1 =	vsel vm15, $0x2B90, v1  }
0x5: {  	vm5 =	vcmask $0x1310;
	s30 =	simm.s32 $0x0;
	s1 =	sand.u32 $0x1, s1;
	s3 =	sshll.u32 s6, $0x1;
	v0 =	vsel vm4, $0x198, v0;
	v1 =	vsel vm4, $0x2C18, v1  }
0x6: {  	vm6 =	vcmask $0x1714;
	s6 =	sshll.u32 s6, $0x7;
	[smem:$0x7FF] =	sst s5;
	s11 =	sadd.s32 $0x600, s0;
	v0 =	vsel vm5, $0x220, v0;
	v1 =	vsel vm5, $0x2CA0, v1  }
0x7: {  	vm7 =	vcmask $0x1B18;
	s14 =	sadd.s32 $0x1000, s2;
	s15 =	sadd.s32 $0x2000, s2;
	s16 =	sadd.s32 $0x3000, s2;
	v0 =	vsel vm6, $0x2A8, v0;
	v1 =	vsel vm6, $0x2D28, v1  }
0x8: {  	vm8 =	vcmask $0x1F1C;
	s4 =	sor.u32 s1, s3;
	s6 =	sand.u32 $0x600, s6;
	s1 =	ssub.s32 $0x2, s1;
	v0 =	vsel vm7, $0x330, v0;
	v1 =	vsel vm7, $0x2DB0, v1  }
0x9: {  	vm9 =	vcmask $0x2320;
	_ =	strace $0x80000047;
	s10 =	sor.u32 $0x60, s3;
	s7 =	sshll.u32 s4, $0x6;
	v0 =	vsel vm8, $0x3B8, v0;
	v1 =	vsel vm8, $0x2E38, v1  }
0xa: {  	vm10 =	vcmask $0x2724;
	s9 =	sshrl.u32 s1, $0x1;
	s26 =	sshll.u32 s4, $0x5;
	s31 =	sand.u32 $0x7, s4;
	v0 =	vsel vm9, $0x1540, v0;
	v1 =	vsel vm9, $0x3FC0, v1  }
0xb: {  	vm11 =	vcmask $0x2B28;
	s8 =	sand.u32 $0x1C0, s7;
	s7 =	sadd.s32 $0xF42A00, s0;
	s24 =	ssub.s32 s1, s9;
	v0 =	vsel vm10, $0x15C8, v0;
	v1 =	vsel vm10, $0x4048, v1  }
0xc: {  	vm12 =	vcmask $0x2F2C;
	s9 =	sor.u32 $0x40, s3;
	s12 =	sand.u32 $0xE0, s26;
	p0 =	sne.s32 s31, $0x0;
	v0 =	vsel vm11, $0x1650, v0;
	v1 =	vsel vm11, $0x40D0, v1  }
0xd: {  	vm13 =	vcmask $0x3330;
	s26 =	simm.s32 $0xD900;
	s6 =	sor.u32 s6, s8;
	s0 =	smax.u32 s24, $0x1;
	v0 =	vsel vm12, $0x16D8, v0;
	v1 =	vsel vm12, $0x4158, v1  }
0xe: {  	vm14 =	vcmask $0x3734;
	s13 =	sshll.u32 s12, $0x4;
	s6 =	sadd.s32 s11, s6;
	[dreg:$0x5] =	wrdreg s0;
	v0 =	vsel vm13, $0x1760, v0;
	v1 =	vsel vm13, $0x41E0, v1  }
0xf: {  	vm15 =	vcmask $0x3B38;
	s24 =	simm.s32 $0x8400;
	[dreg:$0x3] =	wrdreg s6;
	s25 =	sadd.s32 $0x800, s6;
	v0 =	vsel vm14, $0x17E8, v0;
	v1 =	vsel vm14, $0x4268, v1  }
0x10: {  	s11 =	sadd.s32 s11, s8;
	[dreg:$0x4] =	wrdreg s25;
	s25 =	simm.s32 $0x4;
	v0 =	vsel vm15, $0x1870, v0;
	v1 =	vsel vm15, $0x42F0, v1  }
.LBB2_1:
0x11: {  	s0 =	rddreg [dreg:$0x3];
	s17 =	simm.s32 $0x1  }
0x12: {  	[tilespmem:s5], [sflag:$0x1] =	stream.linear.gather [hbm4b:s0+s5], $0x200, $0x38;
	[tilespmem:$0x12E00] =	vst v63  }
0x13: {  	_ =	swait.ge [sflag:s17], $0x200  }
0x14: {  	[sflag:s17] =	ssyncset.done $0x0  }
0x15: {  	s18 =	simm.s32 $0x400;
	[sflag:s17] =	ssyncadd.s32 $0xFFFFFE00  }
0x16: {  	[tilespmem:s18], [sflag:$0x3] =	stream.indirect.gather [hbm4b:s7+s19], $0x20, s5, s19, $0xb8;
	[tilespmem:$0x12E00] =	vst v63  }
0x17: {  	s31 =	simm.s32 $0x0;
	s20 =	rddreg [dreg:$0x4]  }
0x18: {  	[tilespmem:s19], [sflag:$0x2] =	stream.linear.gather [hbm4b:s20+s5], $0x200, $0x38;
	[tilespmem:$0x12E00] =	vst v63  }
.LBB2_2:
0x19: {  	_ =	swait.ge [sflag:s21], $0x4000  }
0x1a: {  	p1 =	seq.s32 s31, $0x18;
	[sflag:s21] =	ssyncset.done $0x0  }
0x1b: {  	s1 =	sshll.u32 s31, $0x6;
	p2 =	seq.s32 @!p1 s31, $0x0;
	[sflag:s21] =	ssyncadd.s32 $0xFFFFC000  }
0x1c: {  	s0 =	sadd.s32 @!p1 s9, s1;
	p2 =	por p1, !p2;
	_ =	swait.ge [sflag:s22], $0x200  }
.Ltmp0:
0x1d: {  	s0 =	sshll.u32 @!p1 s0, $0x6;
	[sflag:s22] =	ssyncset.done $0x0;
	(pc) =	sbr.rel @!p2 .LBB2_3-.Ltmp0, $4  }
0x1e: {  	s0 =	sand.u32 @!p1 $0x3F600, s0;
	[sflag:s22] =	ssyncadd.s32 $0xFFFFFE00  }
0x1f: {  	[tilespmem:s23], [sflag:$0x4] =	stream.indirect.gather [hbm4b:s7+s19], $0x20, s19, s19, $0xb8;
	[tilespmem:$0x12E00] =	vst v63  }
0x20: {  	s6 =	simm.s32 @!p1 $0x0;
	s0 =	sadd.s32 @!p1 s0, s11  }
0x21: {  	[tilespmem:s6], [sflag:$0x1] =	stream.linear.gather @!p1 [hbm4b:s0+s6], $0x200, $0x38;
	[tilespmem:$0x12E00] =	vst v63  }
0x22: {  	_ =	swait.ge [sflag:s28], $0x1000  }
0x23: {  	[sflag:s28] =	ssyncset.done $0x0  }
0x24: {  	[sflag:s28] =	ssyncadd.s32 $0xFFFFF000  }
0x25: {  	_ =	swait.ge [sflag:s28], $0x1000  }
0x26: {  	[sflag:s28] =	ssyncset.done $0x0  }
0x27: {  	[sflag:s28] =	ssyncadd.s32 $0xFFFFF000  }
0x28: {  	_ =	swait.ge [sflag:s28], $0x1000  }
.Ltmp1:
0x29: {  	[sflag:s28] =	ssyncset.done $0x0;
	(pc) =	sbr.rel .LBB2_5-.Ltmp1, $4  }
0x2a: {  	[sflag:s28] =	ssyncadd.s32 $0xFFFFF000  }
0x2b: {  	_ =	swait.ge [sflag:s28], $0x1000  }
0x2c: {  	[sflag:s28] =	ssyncset.done $0x0  }
0x2d: {  	p2 =	por $0x0, $0x0;
	[sflag:s28] =	ssyncadd.s32 $0xFFFFF000  }
.LBB2_3:
0x2e: {  	p2 =	por @!p1 $0x1, $0x1  }
.LBB2_5:
0x2f: {  	s0 =	simm.s32 $0x480  }
0x30: {  	v2 =	vld [tilespmem:s0+$0x70]  }
0x31: {  	v4 =	vld [tilespmem:s0+$0x60]  }
0x32: {  	s20 =	simm.s32 $0x0;
	s6 =	simm.s32 $0x0;
	v3 =	vld [tilespmem:s0+$0x50]  }
0x33: {  	v5 =	vld [tilespmem:s0+$0x40];
	s6 =	sand.u32 $0x18, s6;
	s8 =	sand.u32 $0x78, s20  }
0x34: {  	v6 =	vld [tilespmem:s0+$0x30];
	v7 =	vmov s6;
	v9 =	vmov s8  }
0x35: {  	v8 =	vld [tilespmem:s0+$0x20];
	v9 =	vshrl.u32 v9, $0x3;
	v7 =	vmul.u32 $0x88, v7  }
0x36: {  	v10 =	vld [tilespmem:s0+$0x10];
	v9 =	vshll.u32 v9, $0x3  }
0x37: {  	v11 =	vld [tilespmem:s0+$0x0];
	v7 =	vbroadcast v7, $0x0;
	v9 =	vbroadcast v9, $0x0  }
0x38: {  	v12 =	vld [tilespmem:s0+$0xFFFFFFF0]  }
0x39: {  	v13 =	vld [tilespmem:s0+$0xFFFFFFE0];
	v7 =	vadd.s32 v9, v7  }
0x3a: {  	v53 =	vld [tilespmem:s0+$0xFFFFFF80];
	v15 =	vadd.s32 v0, v7  }
0x3b: {  	v16 =	vld [tilespmem:s0+$0xFFFFFF90];
	v7 =	vadd.s32 v1, v7  }
0x3c: {  	v17 =	vld [tilespmem:s0+$0xFFFFFFA0];
	v18 =	vor.u32 $0x1, v15  }
0x3d: {  	v19 =	vld [tilespmem:s0+$0xFFFFFFB0];
	v20 =	vor.u32 $0x1, v7  }
0x3e: {  	v21 =	vld [tilespmem:s0+$0xFFFFFFC0];
	v22 =	vor.u32 $0x2, v15  }
0x3f: {  	v14 =	vld [tilespmem:s0+$0xFFFFFFD0];
	v54 =	vor.u32 $0x2, v7;
	[tilespmem:v15+s24+$0x0] =	vst.idx.msk $0xffff, v53  }
0x40: {  	v55 =	vor.u32 $0x3, v15;
	[tilespmem:v7+s24+$0x0] =	vst.idx.msk $0xffff, v16  }
0x41: {  	v56 =	vor.u32 $0x3, v7;
	[tilespmem:v18+s24+$0x0] =	vst.idx.msk $0xffff, v17  }
0x42: {  	v57 =	vor.u32 $0x4, v15;
	[tilespmem:v20+s24+$0x0] =	vst.idx.msk $0xffff, v19  }
0x43: {  	v58 =	vor.u32 $0x4, v7;
	[tilespmem:v22+s24+$0x0] =	vst.idx.msk $0xffff, v21  }
0x44: {  	v59 =	vor.u32 $0x5, v15;
	[tilespmem:v54+s24+$0x0] =	vst.idx.msk $0xffff, v14  }
0x45: {  	v60 =	vor.u32 $0x5, v7;
	[tilespmem:v55+s24+$0x0] =	vst.idx.msk $0xffff, v13  }
0x46: {  	v61 =	vor.u32 $0x6, v15;
	[tilespmem:v56+s24+$0x0] =	vst.idx.msk $0xffff, v12  }
0x47: {  	v62 =	vor.u32 $0x6, v7;
	[tilespmem:v57+s24+$0x0] =	vst.idx.msk $0xffff, v11  }
0x48: {  	[tilespmem:v58+s24+$0x0] =	vst.idx.msk $0xffff, v10  }
0x49: {  	[tilespmem:v59+s24+$0x0] =	vst.idx.msk $0xffff, v8  }
0x4a: {  	[tilespmem:v60+s24+$0x0] =	vst.idx.msk $0xffff, v6  }
0x4b: {  	v63 =	vor.u32 $0x7, v15;
	[tilespmem:v61+s24+$0x0] =	vst.idx.msk $0xffff, v5  }
0x4c: {  	[tilespmem:v62+s24+$0x0] =	vst.idx.msk $0xffff, v3;
	v3 =	vor.u32 $0x7, v7;
	_ =	sdelay $0x3  }
0x4d: {  	s8 =	simm.s32 $0x1;
	[tilespmem:v63+s24+$0x0] =	vst.idx.msk $0xffff, v4  }
.LBB2_6:
0x4e: {  	p3 =	sne.s32 s8, $0x3F;
	[tilespmem:v3+s24+$0x0] =	vst.idx.msk $0xffff, v2;
	s20 =	sadd.s32 $0x8, s20;
	s0 =	sadd.s32 $0x100, s0  }
0x4f: {  	s6 =	smov.u32 s8;
	s8 =	sadd.s32 $0x1, s8;
	v2 =	vld [tilespmem:s0+$0x70]  }
0x50: {  	v4 =	vld [tilespmem:s0+$0x60]  }
0x51: {  	v5 =	vld [tilespmem:s0+$0x50]  }
0x52: {  	s6 =	sshrl.u32 s6, $0x1;
	v6 =	vld [tilespmem:s0+$0x40]  }
0x53: {  	s17 =	sand.u32 $0x78, s20;
	s6 =	sand.u32 $0x18, s6;
	v7 =	vld [tilespmem:s0+$0x30]  }
0x54: {  	v9 =	vmov s17;
	v3 =	vmov s6;
	v8 =	vld [tilespmem:s0+$0x20]  }
0x55: {  	v9 =	vshrl.u32 v9, $0x3;
	v3 =	vmul.u32 $0x88, v3;
	v10 =	vld [tilespmem:s0+$0x10]  }
0x56: {  	v9 =	vshll.u32 v9, $0x3;
	v11 =	vld [tilespmem:s0+$0x0]  }
0x57: {  	v9 =	vbroadcast v9, $0x0;
	v3 =	vbroadcast v3, $0x0;
	v12 =	vld [tilespmem:s0+$0xFFFFFFF0]  }
0x58: {  	v13 =	vld [tilespmem:s0+$0xFFFFFFE0]  }
0x59: {  	v3 =	vadd.s32 v9, v3;
	v14 =	vld [tilespmem:s0+$0xFFFFFFD0]  }
0x5a: {  	v15 =	vadd.s32 v0, v3;
	v9 =	vld [tilespmem:s0+$0xFFFFFF80]  }
0x5b: {  	v3 =	vadd.s32 v1, v3;
	v16 =	vld [tilespmem:s0+$0xFFFFFF90]  }
0x5c: {  	v18 =	vor.u32 $0x1, v15;
	v17 =	vld [tilespmem:s0+$0xFFFFFFA0]  }
0x5d: {  	v20 =	vor.u32 $0x1, v3;
	v19 =	vld [tilespmem:s0+$0xFFFFFFB0]  }
0x5e: {  	v22 =	vor.u32 $0x2, v15;
	v21 =	vld [tilespmem:s0+$0xFFFFFFC0]  }
0x5f: {  	[tilespmem:v15+s24+$0x0] =	vst.idx.msk $0xffff, v9;
	v9 =	vor.u32 $0x2, v3  }
0x60: {  	[tilespmem:v3+s24+$0x0] =	vst.idx.msk $0xffff, v16;
	v16 =	vor.u32 $0x3, v15  }
0x61: {  	[tilespmem:v18+s24+$0x0] =	vst.idx.msk $0xffff, v17;
	v17 =	vor.u32 $0x3, v3  }
0x62: {  	v18 =	vor.u32 $0x4, v15;
	[tilespmem:v20+s24+$0x0] =	vst.idx.msk $0xffff, v19  }
0x63: {  	v19 =	vor.u32 $0x4, v3;
	[tilespmem:v22+s24+$0x0] =	vst.idx.msk $0xffff, v21  }
0x64: {  	[tilespmem:v9+s24+$0x0] =	vst.idx.msk $0xffff, v14;
	v9 =	vor.u32 $0x5, v15  }
0x65: {  	[tilespmem:v16+s24+$0x0] =	vst.idx.msk $0xffff, v13;
	v13 =	vor.u32 $0x5, v3  }
0x66: {  	[tilespmem:v17+s24+$0x0] =	vst.idx.msk $0xffff, v12;
	v12 =	vor.u32 $0x6, v15  }
0x67: {  	[tilespmem:v18+s24+$0x0] =	vst.idx.msk $0xffff, v11;
	v11 =	vor.u32 $0x6, v3  }
0x68: {  	[tilespmem:v19+s24+$0x0] =	vst.idx.msk $0xffff, v10;
	v10 =	vor.u32 $0x7, v15  }
.Ltmp2:
0x69: {  	v3 =	vor.u32 $0x7, v3;
	[tilespmem:v9+s24+$0x0] =	vst.idx.msk $0xffff, v8;
	(pc) =	sbr.rel @p3 .LBB2_6-.Ltmp2, $4  }
0x6a: {  	[tilespmem:v13+s24+$0x0] =	vst.idx.msk $0xffff, v7  }
0x6b: {  	[tilespmem:v12+s24+$0x0] =	vst.idx.msk $0xffff, v6  }
0x6c: {  	[tilespmem:v11+s24+$0x0] =	vst.idx.msk $0xffff, v5  }
0x6d: {  	[tilespmem:v10+s24+$0x0] =	vst.idx.msk $0xffff, v4  }
0x6e: {  	s0 =	sor.u32 s4, s1  }
0x6f: {  	p3 =	seq.s32 s0, $0x0  }
0x70: {  	p3 =	por !p0, !p3  }
0x71: {  	s6 =	simm.s32 $0x1;
	p3 =	por !p3, !p3  }
0x72: {  	s0 =	sshrl.u32 s0, $0x3;
	s6 =	simm.s32 @!p3 $0x0  }
0x73: {  	s0 =	ssub.s32 s0, s6  }
0x74: {  	s0 =	sshll.u32 s0, $0xE  }
0x75: {  	s0 =	sand.u32 $0x1FFFC000, s0  }
0x76: {  	s0 =	sor.u32 s13, s0  }
0x77: {  	s20 =	simm.s32 $0x8400;
	s8 =	sadd.s32 s2, s0  }
0x78: {  	[tilespmem:v3+s24+$0x0] =	vst.idx.msk $0xffff, v2;
	s17 =	simm.s32 $0x8488;
	s6 =	simm.s32 $0x10;
	s18 =	sadd.s32 $0x0, s8  }
.LBB2_8:
0x79: {  	[hbm4b:s18+s5] =	stream.linear.scatter [tilespmem:s20], [sflag:$0x5], $0x80, $0x38;
	[tilespmem:$0x12E00] =	vst v63  }
0x7a: {  	s18 =	smov.u32 s6;
	s20 =	smov.u32 s17;
	p3 =	sne.s32 s6, $0x1F0  }
.Ltmp3:
0x7b: {  	s6 =	sadd.s32 $0x10, s6;
	(pc) =	sbr.rel @p3 .LBB2_8-.Ltmp3, $2  }
0x7c: {  	_ =	sdelay $0x2  }
0x7d: {  	s17 =	sadd.s32 $0x88, s17;
	s18 =	sadd.s32 s18, s8  }
0x7e: {  	[hbm4b:s18+s5] =	stream.linear.scatter [tilespmem:s20], [sflag:$0x5], $0x80, $0x38;
	[tilespmem:$0x12E00] =	vst v63  }
0x7f: {  	s8 =	sadd.s32 s0, s14;
	s20 =	simm.s32 $0x9940  }
0x80: {  	s6 =	simm.s32 $0x10;
	s17 =	simm.s32 $0x99C8;
	s18 =	sadd.s32 $0x0, s8  }
.LBB2_10:
0x81: {  	[hbm4b:s18+s5] =	stream.linear.scatter [tilespmem:s20], [sflag:$0x5], $0x80, $0x38;
	[tilespmem:$0x12E00] =	vst v63  }
0x82: {  	s18 =	smov.u32 s6;
	s20 =	smov.u32 s17;
	p3 =	sne.s32 s6, $0x1F0  }
.Ltmp4:
0x83: {  	s6 =	sadd.s32 $0x10, s6;
	(pc) =	sbr.rel @p3 .LBB2_10-.Ltmp4, $2  }
0x84: {  	_ =	sdelay $0x2  }
0x85: {  	s17 =	sadd.s32 $0x88, s17;
	s18 =	sadd.s32 s18, s8  }
0x86: {  	[hbm4b:s18+s5] =	stream.linear.scatter [tilespmem:s20], [sflag:$0x5], $0x80, $0x38;
	[tilespmem:$0x12E00] =	vst v63  }
0x87: {  	s8 =	sadd.s32 s0, s15;
	s20 =	simm.s32 $0xAE80  }
0x88: {  	s6 =	simm.s32 $0x10;
	s17 =	simm.s32 $0xAF08;
	s18 =	sadd.s32 $0x0, s8  }
.LBB2_12:
0x89: {  	[hbm4b:s18+s5] =	stream.linear.scatter [tilespmem:s20], [sflag:$0x5], $0x80, $0x38;
	[tilespmem:$0x12E00] =	vst v63  }
0x8a: {  	s18 =	smov.u32 s6;
	s20 =	smov.u32 s17;
	p3 =	sne.s32 s6, $0x1F0  }
.Ltmp5:
0x8b: {  	s6 =	sadd.s32 $0x10, s6;
	(pc) =	sbr.rel @p3 .LBB2_12-.Ltmp5, $2  }
0x8c: {  	_ =	sdelay $0x2  }
0x8d: {  	s17 =	sadd.s32 $0x88, s17;
	s18 =	sadd.s32 s18, s8  }
0x8e: {  	[hbm4b:s18+s5] =	stream.linear.scatter [tilespmem:s20], [sflag:$0x5], $0x80, $0x38;
	[tilespmem:$0x12E00] =	vst v63  }
0x8f: {  	s0 =	sadd.s32 s0, s16;
	s8 =	simm.s32 $0xC3C0  }
0x90: {  	s6 =	simm.s32 $0x10;
	s17 =	simm.s32 $0xC448;
	s18 =	sadd.s32 $0x0, s0  }
.LBB2_14:
0x91: {  	[hbm4b:s18+s5] =	stream.linear.scatter [tilespmem:s8], [sflag:$0x5], $0x80, $0x38;
	[tilespmem:$0x12E00] =	vst v63  }
0x92: {  	s18 =	smov.u32 s6;
	s8 =	smov.u32 s17;
	p3 =	sne.s32 s6, $0x1F0  }
.Ltmp6:
0x93: {  	s6 =	sadd.s32 $0x10, s6;
	(pc) =	sbr.rel @p3 .LBB2_14-.Ltmp6, $2  }
0x94: {  	_ =	sdelay $0x2  }
0x95: {  	s17 =	sadd.s32 $0x88, s17;
	s18 =	sadd.s32 s18, s0  }
0x96: {  	[hbm4b:s18+s5] =	stream.linear.scatter [tilespmem:s8], [sflag:$0x5], $0x80, $0x38;
	[tilespmem:$0x12E00] =	vst v63  }
0x97: {  	_ =	swait.ge [sflag:s25], $0x4000  }
0x98: {  	[sflag:s25] =	ssyncset.done $0x0  }
0x99: {  	s0 =	simm.s32 @!p1 $0x1;
	[sflag:s25] =	ssyncadd.s32 $0xFFFFC000  }
0x9a: {  	_ =	swait.ge @!p1 [sflag:s0], $0x200  }
0x9b: {  	s6 =	simm.s32 @!p1 $0x0;
	[sflag:s0] =	ssyncset.done @!p1 $0x0  }
0x9c: {  	s8 =	simm.s32 @!p1 $0x400;
	[sflag:s0] =	ssyncadd.s32 @!p1 $0xFFFFFE00;
	s0 =	simm.s32 @!p1 $0x200  }
0x9d: {  	[tilespmem:s8], [sflag:$0x3] =	stream.indirect.gather @!p1 [hbm4b:s7+s0], $0x20, s6, s0, $0xb8;
	[tilespmem:$0x12E00] =	vst v63  }
0x9e: {  	s8 =	sadd.s32 @!p1 s10, s1  }
0x9f: {  	s8 =	sshll.u32 @!p1 s8, $0x6  }
0xa0: {  	s8 =	sand.u32 @!p1 $0x3FE00, s8  }
0xa1: {  	s8 =	sadd.s32 @!p1 s8, s11  }
0xa2: {  	[tilespmem:s0], [sflag:$0x2] =	stream.linear.gather @!p1 [hbm4b:s8+s6], $0x200, $0x38;
	[tilespmem:$0x12E00] =	vst v63  }
0xa3: {  	p1 =	por p1, !p2  }
0xa4: {  	_ =	swait.ge @p1 [sflag:s29], $0x1000  }
0xa5: {  	[sflag:s29] =	ssyncset.done @p1 $0x0  }
0xa6: {  	[sflag:s29] =	ssyncadd.s32 @p1 $0xFFFFF000  }
0xa7: {  	_ =	swait.ge @p1 [sflag:s29], $0x1000  }
0xa8: {  	[sflag:s29] =	ssyncset.done @p1 $0x0  }
0xa9: {  	[sflag:s29] =	ssyncadd.s32 @p1 $0xFFFFF000  }
0xaa: {  	_ =	swait.ge @p1 [sflag:s29], $0x1000  }
0xab: {  	[sflag:s29] =	ssyncset.done @p1 $0x0  }
0xac: {  	[sflag:s29] =	ssyncadd.s32 @p1 $0xFFFFF000  }
0xad: {  	_ =	swait.ge @p1 [sflag:s29], $0x1000  }
0xae: {  	[sflag:s29] =	ssyncset.done @p1 $0x0  }
0xaf: {  	s0 =	simm.s32 $0x4480;
	[sflag:s29] =	ssyncadd.s32 @p1 $0xFFFFF000  }
0xb0: {  	v2 =	vld [tilespmem:s0+$0x70]  }
0xb1: {  	v4 =	vld [tilespmem:s0+$0x60]  }
0xb2: {  	s20 =	simm.s32 $0x0;
	s17 =	simm.s32 $0x0;
	v3 =	vld [tilespmem:s0+$0x50]  }
0xb3: {  	s18 =	sand.u32 $0x78, s20;
	s6 =	sand.u32 $0x18, s17;
	v5 =	vld [tilespmem:s0+$0x40]  }
0xb4: {  	v9 =	vmov s18;
	v7 =	vmov s6;
	v6 =	vld [tilespmem:s0+$0x30]  }
0xb5: {  	v9 =	vshrl.u32 v9, $0x3;
	v7 =	vmul.u32 $0x88, v7;
	v8 =	vld [tilespmem:s0+$0x20]  }
0xb6: {  	v9 =	vshll.u32 v9, $0x3;
	v10 =	vld [tilespmem:s0+$0x10]  }
0xb7: {  	v9 =	vbroadcast v9, $0x0;
	v7 =	vbroadcast v7, $0x0;
	v11 =	vld [tilespmem:s0+$0x0]  }
0xb8: {  	v12 =	vld [tilespmem:s0+$0xFFFFFFF0]  }
0xb9: {  	v7 =	vadd.s32 v9, v7;
	v13 =	vld [tilespmem:s0+$0xFFFFFFE0]  }
0xba: {  	v15 =	vadd.s32 v0, v7;
	v53 =	vld [tilespmem:s0+$0xFFFFFF80]  }
0xbb: {  	v7 =	vadd.s32 v1, v7;
	v16 =	vld [tilespmem:s0+$0xFFFFFF90]  }
0xbc: {  	v18 =	vor.u32 $0x1, v15;
	v17 =	vld [tilespmem:s0+$0xFFFFFFA0]  }
0xbd: {  	v20 =	vor.u32 $0x1, v7;
	v19 =	vld [tilespmem:s0+$0xFFFFFFB0]  }
0xbe: {  	v22 =	vor.u32 $0x2, v15;
	v21 =	vld [tilespmem:s0+$0xFFFFFFC0]  }
0xbf: {  	v54 =	vor.u32 $0x2, v7;
	v14 =	vld [tilespmem:s0+$0xFFFFFFD0];
	[tilespmem:v15+s26+$0x0] =	vst.idx.msk $0xffff, v53  }
0xc0: {  	v55 =	vor.u32 $0x3, v15;
	[tilespmem:v7+s26+$0x0] =	vst.idx.msk $0xffff, v16  }
0xc1: {  	v56 =	vor.u32 $0x3, v7;
	[tilespmem:v18+s26+$0x0] =	vst.idx.msk $0xffff, v17  }
0xc2: {  	v57 =	vor.u32 $0x4, v15;
	[tilespmem:v20+s26+$0x0] =	vst.idx.msk $0xffff, v19  }
0xc3: {  	v58 =	vor.u32 $0x4, v7;
	[tilespmem:v22+s26+$0x0] =	vst.idx.msk $0xffff, v21  }
0xc4: {  	v59 =	vor.u32 $0x5, v15;
	[tilespmem:v54+s26+$0x0] =	vst.idx.msk $0xffff, v14  }
0xc5: {  	v60 =	vor.u32 $0x5, v7;
	[tilespmem:v55+s26+$0x0] =	vst.idx.msk $0xffff, v13  }
0xc6: {  	v61 =	vor.u32 $0x6, v15;
	[tilespmem:v56+s26+$0x0] =	vst.idx.msk $0xffff, v12  }
0xc7: {  	v62 =	vor.u32 $0x6, v7;
	[tilespmem:v57+s26+$0x0] =	vst.idx.msk $0xffff, v11  }
0xc8: {  	[tilespmem:v58+s26+$0x0] =	vst.idx.msk $0xffff, v10  }
0xc9: {  	[tilespmem:v59+s26+$0x0] =	vst.idx.msk $0xffff, v8  }
0xca: {  	[tilespmem:v60+s26+$0x0] =	vst.idx.msk $0xffff, v6  }
0xcb: {  	v63 =	vor.u32 $0x7, v15;
	[tilespmem:v61+s26+$0x0] =	vst.idx.msk $0xffff, v5  }
0xcc: {  	[tilespmem:v62+s26+$0x0] =	vst.idx.msk $0xffff, v3;
	v3 =	vor.u32 $0x7, v7;
	_ =	sdelay $0x3  }
0xcd: {  	s8 =	simm.s32 $0x1;
	[tilespmem:v63+s26+$0x0] =	vst.idx.msk $0xffff, v4  }
.LBB2_16:
0xce: {  	p1 =	sne.s32 s8, $0x3F;
	[tilespmem:v3+s26+$0x0] =	vst.idx.msk $0xffff, v2;
	s20 =	sadd.s32 $0x8, s20;
	s0 =	sadd.s32 $0x100, s0  }
0xcf: {  	s6 =	smov.u32 s8;
	s8 =	sadd.s32 $0x1, s8;
	v2 =	vld [tilespmem:s0+$0x70]  }
0xd0: {  	v4 =	vld [tilespmem:s0+$0x60]  }
0xd1: {  	v5 =	vld [tilespmem:s0+$0x50]  }
0xd2: {  	s6 =	sshrl.u32 s6, $0x1;
	v6 =	vld [tilespmem:s0+$0x40]  }
0xd3: {  	s17 =	sand.u32 $0x78, s20;
	s6 =	sand.u32 $0x18, s6;
	v7 =	vld [tilespmem:s0+$0x30]  }
0xd4: {  	v9 =	vmov s17;
	v3 =	vmov s6;
	v8 =	vld [tilespmem:s0+$0x20]  }
0xd5: {  	v9 =	vshrl.u32 v9, $0x3;
	v3 =	vmul.u32 $0x88, v3;
	v10 =	vld [tilespmem:s0+$0x10]  }
0xd6: {  	v9 =	vshll.u32 v9, $0x3;
	v11 =	vld [tilespmem:s0+$0x0]  }
0xd7: {  	v9 =	vbroadcast v9, $0x0;
	v3 =	vbroadcast v3, $0x0;
	v12 =	vld [tilespmem:s0+$0xFFFFFFF0]  }
0xd8: {  	v13 =	vld [tilespmem:s0+$0xFFFFFFE0]  }
0xd9: {  	v3 =	vadd.s32 v9, v3;
	v14 =	vld [tilespmem:s0+$0xFFFFFFD0]  }
0xda: {  	v15 =	vadd.s32 v0, v3;
	v9 =	vld [tilespmem:s0+$0xFFFFFF80]  }
0xdb: {  	v3 =	vadd.s32 v1, v3;
	v16 =	vld [tilespmem:s0+$0xFFFFFF90]  }
0xdc: {  	v18 =	vor.u32 $0x1, v15;
	v17 =	vld [tilespmem:s0+$0xFFFFFFA0]  }
0xdd: {  	v20 =	vor.u32 $0x1, v3;
	v19 =	vld [tilespmem:s0+$0xFFFFFFB0]  }
0xde: {  	v22 =	vor.u32 $0x2, v15;
	v21 =	vld [tilespmem:s0+$0xFFFFFFC0]  }
0xdf: {  	[tilespmem:v15+s26+$0x0] =	vst.idx.msk $0xffff, v9;
	v9 =	vor.u32 $0x2, v3  }
0xe0: {  	[tilespmem:v3+s26+$0x0] =	vst.idx.msk $0xffff, v16;
	v16 =	vor.u32 $0x3, v15  }
0xe1: {  	[tilespmem:v18+s26+$0x0] =	vst.idx.msk $0xffff, v17;
	v17 =	vor.u32 $0x3, v3  }
0xe2: {  	v18 =	vor.u32 $0x4, v15;
	[tilespmem:v20+s26+$0x0] =	vst.idx.msk $0xffff, v19  }
0xe3: {  	v19 =	vor.u32 $0x4, v3;
	[tilespmem:v22+s26+$0x0] =	vst.idx.msk $0xffff, v21  }
0xe4: {  	[tilespmem:v9+s26+$0x0] =	vst.idx.msk $0xffff, v14;
	v9 =	vor.u32 $0x5, v15  }
0xe5: {  	[tilespmem:v16+s26+$0x0] =	vst.idx.msk $0xffff, v13;
	v13 =	vor.u32 $0x5, v3  }
0xe6: {  	[tilespmem:v17+s26+$0x0] =	vst.idx.msk $0xffff, v12;
	v12 =	vor.u32 $0x6, v15  }
0xe7: {  	[tilespmem:v18+s26+$0x0] =	vst.idx.msk $0xffff, v11;
	v11 =	vor.u32 $0x6, v3  }
0xe8: {  	[tilespmem:v19+s26+$0x0] =	vst.idx.msk $0xffff, v10;
	v10 =	vor.u32 $0x7, v15  }
.Ltmp7:
0xe9: {  	v3 =	vor.u32 $0x7, v3;
	[tilespmem:v9+s26+$0x0] =	vst.idx.msk $0xffff, v8;
	(pc) =	sbr.rel @p1 .LBB2_16-.Ltmp7, $4  }
0xea: {  	[tilespmem:v13+s26+$0x0] =	vst.idx.msk $0xffff, v7  }
0xeb: {  	[tilespmem:v12+s26+$0x0] =	vst.idx.msk $0xffff, v6  }
0xec: {  	[tilespmem:v11+s26+$0x0] =	vst.idx.msk $0xffff, v5  }
0xed: {  	[tilespmem:v10+s26+$0x0] =	vst.idx.msk $0xffff, v4  }
0xee: {  	s0 =	sor.u32 s3, s1  }
0xef: {  	s0 =	sshll.u32 s0, $0x7  }
0xf0: {  	s0 =	sand.u32 $0x3EC00, s0  }
0xf1: {  	s0 =	sor.u32 s12, s0  }
0xf2: {  	s0 =	sshll.u32 s0, $0x4  }
0xf3: {  	s0 =	sor.u32 $0x10000, s0  }
0xf4: {  	s8 =	simm.s32 $0xD900;
	s1 =	sadd.s32 s2, s0  }
0xf5: {  	[tilespmem:v3+s26+$0x0] =	vst.idx.msk $0xffff, v2;
	s6 =	simm.s32 $0x10;
	s17 =	simm.s32 $0xD988;
	s18 =	sadd.s32 $0x0, s1  }
.LBB2_18:
0xf6: {  	[hbm4b:s18+s5] =	stream.linear.scatter [tilespmem:s8], [sflag:$0x6], $0x80, $0x38;
	[tilespmem:$0x12E00] =	vst v63  }
0xf7: {  	s18 =	smov.u32 s6;
	s8 =	smov.u32 s17;
	p1 =	sne.s32 s6, $0x1F0  }
.Ltmp8:
0xf8: {  	s6 =	sadd.s32 $0x10, s6;
	(pc) =	sbr.rel @p1 .LBB2_18-.Ltmp8, $2  }
0xf9: {  	_ =	sdelay $0x2  }
0xfa: {  	s17 =	sadd.s32 $0x88, s17;
	s18 =	sadd.s32 s18, s1  }
0xfb: {  	[hbm4b:s18+s5] =	stream.linear.scatter [tilespmem:s8], [sflag:$0x6], $0x80, $0x38;
	[tilespmem:$0x12E00] =	vst v63  }
0xfc: {  	s1 =	sadd.s32 s0, s14;
	s8 =	simm.s32 $0xEE40  }
0xfd: {  	s6 =	simm.s32 $0x10;
	s17 =	simm.s32 $0xEEC8;
	s18 =	sadd.s32 $0x0, s1  }
.LBB2_20:
0xfe: {  	[hbm4b:s18+s5] =	stream.linear.scatter [tilespmem:s8], [sflag:$0x6], $0x80, $0x38;
	[tilespmem:$0x12E00] =	vst v63  }
0xff: {  	s18 =	smov.u32 s6;
	s8 =	smov.u32 s17;
	p1 =	sne.s32 s6, $0x1F0  }
.Ltmp9:
0x100: {  	s6 =	sadd.s32 $0x10, s6;
	(pc) =	sbr.rel @p1 .LBB2_20-.Ltmp9, $2  }
0x101: {  	_ =	sdelay $0x2  }
0x102: {  	s17 =	sadd.s32 $0x88, s17;
	s18 =	sadd.s32 s18, s1  }
0x103: {  	[hbm4b:s18+s5] =	stream.linear.scatter [tilespmem:s8], [sflag:$0x6], $0x80, $0x38;
	[tilespmem:$0x12E00] =	vst v63  }
0x104: {  	s1 =	sadd.s32 s0, s15;
	s8 =	simm.s32 $0x10380  }
0x105: {  	s6 =	simm.s32 $0x10;
	s17 =	simm.s32 $0x10408;
	s18 =	sadd.s32 $0x0, s1  }
.LBB2_22:
0x106: {  	[hbm4b:s18+s5] =	stream.linear.scatter [tilespmem:s8], [sflag:$0x6], $0x80, $0x38;
	[tilespmem:$0x12E00] =	vst v63  }
0x107: {  	s18 =	smov.u32 s6;
	s8 =	smov.u32 s17;
	p1 =	sne.s32 s6, $0x1F0  }
.Ltmp10:
0x108: {  	s6 =	sadd.s32 $0x10, s6;
	(pc) =	sbr.rel @p1 .LBB2_22-.Ltmp10, $2  }
0x109: {  	_ =	sdelay $0x2  }
0x10a: {  	s17 =	sadd.s32 $0x88, s17;
	s18 =	sadd.s32 s18, s1  }
0x10b: {  	[hbm4b:s18+s5] =	stream.linear.scatter [tilespmem:s8], [sflag:$0x6], $0x80, $0x38;
	[tilespmem:$0x12E00] =	vst v63  }
0x10c: {  	s0 =	sadd.s32 s0, s16;
	s1 =	simm.s32 $0x118C0  }
0x10d: {  	s6 =	simm.s32 $0x10;
	s8 =	simm.s32 $0x11948;
	s17 =	sadd.s32 $0x0, s0  }
.LBB2_24:
0x10e: {  	[hbm4b:s17+s5] =	stream.linear.scatter [tilespmem:s1], [sflag:$0x6], $0x80, $0x38;
	[tilespmem:$0x12E00] =	vst v63  }
0x10f: {  	s17 =	smov.u32 s6;
	s1 =	smov.u32 s8;
	p1 =	sne.s32 s6, $0x1F0  }
.Ltmp11:
0x110: {  	s6 =	sadd.s32 $0x10, s6;
	(pc) =	sbr.rel @p1 .LBB2_24-.Ltmp11, $2  }
0x111: {  	_ =	sdelay $0x2  }
0x112: {  	s8 =	sadd.s32 $0x88, s8;
	s17 =	sadd.s32 s17, s0  }
0x113: {  	s31 =	sadd.s32 $0x1, s31  }
0x114: {  	p1 =	sne.s32 s31, $0x19  }
.Ltmp12:
0x115: {  	_ = 	snop;
	(pc) =	sbr.rel @p1 .LBB2_2-.Ltmp12, $2  }
0x116: {  	_ =	sdelay $0x2  }
0x117: {  	[hbm4b:s17+s5] =	stream.linear.scatter [tilespmem:s1], [sflag:$0x6], $0x80, $0x38;
	[tilespmem:$0x12E00] =	vst v63  }
0x118: {  	_ =	swait.ge [sflag:s28], $0x1000  }
0x119: {  	[sflag:s28] =	ssyncset.done $0x0  }
0x11a: {  	[sflag:s28] =	ssyncadd.s32 $0xFFFFF000  }
0x11b: {  	_ =	swait.ge [sflag:s28], $0x1000  }
0x11c: {  	[sflag:s28] =	ssyncset.done $0x0  }
0x11d: {  	[sflag:s28] =	ssyncadd.s32 $0xFFFFF000  }
0x11e: {  	_ =	swait.ge [sflag:s28], $0x1000  }
0x11f: {  	[sflag:s28] =	ssyncset.done $0x0  }
0x120: {  	[sflag:s28] =	ssyncadd.s32 $0xFFFFF000  }
0x121: {  	_ =	swait.ge [sflag:s28], $0x1000  }
0x122: {  	[sflag:s28] =	ssyncset.done $0x0  }
0x123: {  	[sflag:s28] =	ssyncadd.s32 $0xFFFFF000  }
0x124: {  	_ =	swait.ge [sflag:s29], $0x1000  }
0x125: {  	[sflag:s29] =	ssyncset.done $0x0  }
0x126: {  	[sflag:s29] =	ssyncadd.s32 $0xFFFFF000  }
0x127: {  	_ =	swait.ge [sflag:s29], $0x1000  }
0x128: {  	[sflag:s29] =	ssyncset.done $0x0  }
0x129: {  	[sflag:s29] =	ssyncadd.s32 $0xFFFFF000  }
0x12a: {  	_ =	swait.ge [sflag:s29], $0x1000  }
0x12b: {  	[sflag:s29] =	ssyncset.done $0x0  }
0x12c: {  	[sflag:s29] =	ssyncadd.s32 $0xFFFFF000  }
0x12d: {  	_ =	swait.ge [sflag:s29], $0x1000  }
0x12e: {  	s30 =	sadd.s32 $0x1, s30;
	s0 =	rddreg [dreg:$0x5]  }
0x12f: {  	p1 =	sne.s32 s30, s0  }
.Ltmp13:
0x130: {  	_ = 	snop;
	(pc) =	sbr.rel @p1 .LBB2_1-.Ltmp13, $3  }
0x131: {  	_ =	sdelay $0x1  }
0x132: {  	[sflag:s29] =	ssyncset.done $0x0  }
0x133: {  	[sflag:s29] =	ssyncadd.s32 $0xFFFFF000  }
0x134: {  	_ =	sfence.sel $0x180000  }
0x135: {  	[bflag:$0x0] =	sbarrier.arrive $0xFFFF  }
0x136: {  	_ =	strace $0x90000047  }
0x137: {  	s0 =	stileid.u32;
	[bflag:$0x2] =	sbarrier.arrive $0xFFFF  }
0x138: {  	p0 =	sne.s32 s0, $0x0;
	s0 =	rddreg [dreg:$0x2]  }
0x139: {  	s0 =	sadd.s32 @!p0 $0x100000, s0  }
0x13a: {  	[sflag:s0] =	ssyncadd.tile.s32 @!p0 $0x1;
	_ =	shalt  }
.Lfunc_end2:
_tile_overlayer_lowered:
.L_overlay_start_2:
0x13b: {  	(tag) =	ssettag $0x2  }
0x13c: {  	s0 =	rddreg [dreg:$0x0];
	s2 =	stileid.u32  }
0x13d: {  	s1 =	rddreg [dreg:$0x1];
	p0 =	sne.s32 s2, $0x0  }
0x13e: {  	s3 =	rddreg [dreg:$0x2];
	[bflag:$0x3] =	sbarrier.arrive $0xFFFF;
	s2 =	simm.s32 @!p0 $0x1C07  }
0x13f: {  	[timem:s3], [sflag:s2] =	dma.local @!p0 [hbm:s0], s1  }
0x140: {  	s0 =	simm.s32 @!p0 $0x7  }
0x141: {  	_ =	swait.ge @!p0 [sflag:s0], s1  }
0x142: {  	s1 =	ssub.s32 @!p0 $0x0, s1;
	[sflag:s0] =	ssyncset.done @!p0 $0x0  }
0x143: {  	[sflag:s0] =	ssyncadd.s32 @!p0 s1  }
0x144: {  	[bflag:$0x3] =	sbarrier.arrive $0xFFFF  }
0x145: {  	_ =	shalt  }

</sc_bundles>
